<compile_context>
chip_gen: v7x
topology: tpu7x:2x2x1
jax: 0.10.2.dev20260603
libtpu: 0.0.44.dev20260713+nightly
codegen_flags: <defaults>
</compile_context>

<pallas_src>
import functools

import jax
import jax.numpy as jnp
from jax import lax
from jax.experimental import pallas as pl
from jax.experimental.pallas import tpu as pltpu
from jax.experimental.pallas import tpu_sc as plsc

K = 8192
D = 256
BETA = 0.25

N_BLK = 2048
K_WIN = 2048
LANES = 128


def _argmin_body(z_ref, e_ref, zsq_ref, esq_ref, idx_ref, dmin_ref):
    z = z_ref[...]
    zsq = zsq_ref[...]
    lane = lax.broadcasted_iota(jnp.int32, (N_BLK, LANES), 1)

    r_v = r_i = r_f = None
    for w in range(K // K_WIN):
        mm = lax.dot_general(z, e_ref[w * K_WIN:(w + 1) * K_WIN, :],
                             (((1,), (1,)), ((), ())),
                             preferred_element_type=jnp.float32)
        mm2 = 2.0 * mm
        d = (zsq + esq_ref[:, w * K_WIN:(w + 1) * K_WIN]) - mm2
        bv = d[:, 0:LANES]
        bj = jnp.zeros((N_BLK, LANES), dtype=jnp.int32)
        for j in range(1, K_WIN // LANES):
            dj = d[:, j * LANES:(j + 1) * LANES]
            lt = dj < bv
            bv = jnp.where(lt, dj, bv)
            bj = jnp.where(lt, j, bj)
        wmin = jnp.min(bv, axis=1, keepdims=True)
        col = bj * LANES + lane + (w * K_WIN)
        wcol = jnp.min(jnp.where(bv == wmin, col, jnp.int32(2**31 - 1)),
                       axis=1, keepdims=True)
        if w == 0:
            r_i, r_f = wcol, wmin
        else:
            take = wmin < r_v
            r_i = jnp.where(take, wcol, r_i)
            r_f = jnp.where(take, wmin, r_f)
        r_v = r_f.astype(jnp.bfloat16).astype(jnp.float32)
    idx_ref[...] = r_i
    dmin_ref[...] = r_f


def _argmin_call(flat, et, zsq, esq):
    n = flat.shape[0]
    grid = (n // N_BLK,)
    return pl.pallas_call(
        _argmin_body,
        grid=grid,
        in_specs=[
            pl.BlockSpec((N_BLK, D), lambda i: (i, 0)),
            pl.BlockSpec((K, D), lambda i: (0, 0)),
            pl.BlockSpec((N_BLK, 1), lambda i: (i, 0)),
            pl.BlockSpec((1, K), lambda i: (0, 0)),
        ],
        out_specs=[
            pl.BlockSpec((N_BLK, 1), lambda i: (i, 0)),
            pl.BlockSpec((N_BLK, 1), lambda i: (i, 0)),
        ],
        out_shape=[
            jax.ShapeDtypeStruct((n, 1), jnp.int32),
            jax.ShapeDtypeStruct((n, 1), jnp.float32),
        ],
    )(flat, et, zsq, esq)


def _make_sc_gather(n):
    info = plsc.get_sparse_core_info()
    nw = info.num_cores * info.num_subcores
    b_per_w = n // nw
    mesh = plsc.VectorSubcoreMesh(core_axis_name="c", subcore_axis_name="s")

    @functools.partial(
        pl.kernel, mesh=mesh,
        out_type=jax.ShapeDtypeStruct((n, D), jnp.float32),
        scratch_types=[
            pltpu.VMEM((b_per_w,), jnp.int32),
            pltpu.VMEM((b_per_w, D), jnp.float32),
            pltpu.SemaphoreType.DMA,
        ],
    )
    def gather(table_hbm, idx_hbm, out_hbm, idx_v, rows_v, sem):
        wid = lax.axis_index("s") * info.num_cores + lax.axis_index("c")
        base = wid * b_per_w
        pltpu.sync_copy(idx_hbm.at[pl.ds(base, b_per_w)], idx_v)
        pltpu.async_copy(table_hbm.at[idx_v], rows_v, sem).wait()
        pltpu.sync_copy(rows_v, out_hbm.at[pl.ds(base, b_per_w)])

    return gather


def kernel(latents, embedding_weight):
    shape = latents.shape
    flat = latents.reshape(-1, shape[-1])
    n = flat.shape[0]
    zsq = jnp.sum(flat ** 2, axis=1, keepdims=True)
    esq = jnp.sum(embedding_weight ** 2, axis=1).reshape(1, K)

    idx, dmin = _argmin_call(flat, embedding_weight, zsq, esq)

    quantized = _make_sc_gather(n)(embedding_weight, idx.reshape(n))

    v = jnp.sum(dmin) / (n * D)
    vq_loss = v * BETA + v
    return (quantized.reshape(shape), vq_loss)

# --- scband reference (transcript-rebuilt; emitter-appended) ---
"""Pipeline reference for scband-vector-quantizer-86827058856705 (READ-ONLY COPY).

The authoritative reference and input builder live on the scoring server;
editing this copy changes nothing except your own understanding.
"""

import jax, jax.numpy as jnp
import numpy as np

K = 8192
D = 256
BETA = 0.25


def setup_inputs(seed: int = 0) -> dict:
    key = jax.random.key(seed)
    k1, k2 = jax.random.split(key)
    latents = jax.random.normal(k1, (8, 1024, 256), dtype=jnp.float32)
    # nn.Embedding weight initialized uniform(-1/K, 1/K)
    embedding_weight = jax.random.uniform(k2, (K, D), dtype=jnp.float32, minval=-1.0 / K, maxval=1.0 / K)
    return {"latents": latents, "embedding_weight": embedding_weight}


def reference(latents, embedding_weight):
    shape = latents.shape
    flat = latents.reshape(-1, shape[-1])
    # Pairwise squared distances: ||z||^2 + ||e||^2 - 2 z e^T
    dist = (jnp.sum(flat ** 2, axis=1, keepdims=True)
            + jnp.sum(embedding_weight ** 2, axis=1)
            - 2.0 * jnp.matmul(flat, embedding_weight.T))
    encoding_inds = jnp.argmin(dist, axis=1)
    # one-hot scatter followed by matmul (faithful to reference impl)
    encoding_one_hot = jax.nn.one_hot(encoding_inds, K, dtype=flat.dtype)
    quantized = jnp.matmul(encoding_one_hot, embedding_weight)
    commitment_loss = jnp.mean((jax.lax.stop_gradient(quantized) - flat) ** 2)
    embedding_loss = jnp.mean((quantized - jax.lax.stop_gradient(flat)) ** 2)
    vq_loss = commitment_loss * BETA + embedding_loss
    # straight-through estimator
    quantized = flat + jax.lax.stop_gradient(quantized - flat)
    quantized = quantized.reshape(shape)
    return (quantized, vq_loss)

if __name__ == "__main__":
    import jax
    _d = setup_inputs()
    print(jax.jit(kernel)(*tuple(_d.values())))

</pallas_src>

<mosaic_0001>
#map = affine_map<(d0, d1) -> (0, 0)>
#map1 = affine_map<(d0, d1) -> (0)>
module attributes {stable_mosaic.version = 14 : i64} {
  func.func @gather(%arg0: i32, %arg1: i32, %arg2: memref<8192x256xf32, #tpu.memory_space<hbm>>, %arg3: memref<8192xi32, #tpu.memory_space<hbm>>, %arg4: memref<8192x256xf32, #tpu.memory_space<hbm>>, %arg5: memref<256xi32, #tpu.memory_space<vmem>>, %arg6: memref<256x256xf32, #tpu.memory_space<vmem>>, %arg7: memref<!tpu.dma_semaphore, #tpu.memory_space<semaphore_mem>>) attributes {dimension_semantics = [#tpu.dimension_semantics<core_parallel>, #tpu.dimension_semantics<subcore_parallel>], iteration_bounds = array<i64: 2, 16>, scalar_prefetch = 0 : i64, scratch_operands = 3 : i64, tpu.core_type = #tpu.core_type<sc_vector_subcore>, window_params = [{transform_indices = #map}, {transform_indices = #map1}, {transform_indices = #map}]} {
    %mul3A = arith.constant 2 : i32
    %mul3A_0 = arith.muli %arg1, %mul3A : i32
    %add3A = arith.addi %mul3A_0, %arg0 : i32
    %mul3A_1 = arith.constant 256 : i32
    %mul3A_2 = arith.muli %add3A, %mul3A_1 : i32
    "tpu.region"() ({
      %run_scoped3A = tpu.sem_alloc : memref<!tpu.dma_semaphore, #tpu.memory_space<semaphore_mem>>
      %dma_start3A_7 = tpu.memref_slice %arg3[%mul3A_2] : memref<8192xi32, #tpu.memory_space<hbm>> -> memref<256xi32, #tpu.memory_space<hbm>>
      %dma_start3A_8 = tpu.memref_slice %arg3[%mul3A_2] : memref<8192xi32, #tpu.memory_space<hbm>> -> memref<256xi32, #tpu.memory_space<hbm>>
      tpu.enqueue_dma source(%dma_start3A_8 : memref<256xi32, #tpu.memory_space<hbm>>) target(%arg5 : memref<256xi32, #tpu.memory_space<vmem>>) target_semaphore(%run_scoped3A : memref<!tpu.dma_semaphore, #tpu.memory_space<semaphore_mem>>)
      %dma_wait3A_9 = tpu.memref_slice %arg3[%mul3A_2] : memref<8192xi32, #tpu.memory_space<hbm>> -> memref<256xi32, #tpu.memory_space<hbm>>
      %dma_wait3A_10 = tpu.memref_slice %arg3[%mul3A_2] : memref<8192xi32, #tpu.memory_space<hbm>> -> memref<256xi32, #tpu.memory_space<hbm>>
      tpu.wait_dma2 semaphore(%run_scoped3A : memref<!tpu.dma_semaphore, #tpu.memory_space<semaphore_mem>>) src(%dma_wait3A_10 : memref<256xi32, #tpu.memory_space<hbm>>) dst(%arg5 : memref<256xi32, #tpu.memory_space<vmem>>)
      tpu.yield
    }) : () -> ()
    %dma_start3A = arith.constant 0 : i32
    %dma_start3A_3 = arith.constant 0 : i32
    %dma_start3A_4 = tpu.memref_slice %arg2[%dma_start3A, %dma_start3A_3] : memref<8192x256xf32, #tpu.memory_space<hbm>> -> memref<8192x256xf32, #tpu.memory_space<hbm>>
    tpu.enqueue_indirect_dma source(%dma_start3A_4 : memref<8192x256xf32, #tpu.memory_space<hbm>>) target(%arg6 : memref<256x256xf32, #tpu.memory_space<vmem>>) offsets(%arg5 : memref<256xi32, #tpu.memory_space<vmem>>) semaphore(%arg7 : memref<!tpu.dma_semaphore, #tpu.memory_space<semaphore_mem>>)
    %dma_wait3A = arith.constant 0 : i32
    %dma_wait3A_5 = arith.constant 0 : i32
    %dma_wait3A_6 = tpu.memref_slice %arg2[%dma_wait3A, %dma_wait3A_5] : memref<8192x256xf32, #tpu.memory_space<hbm>> -> memref<8192x256xf32, #tpu.memory_space<hbm>>
    tpu.wait_indirect_dma semaphore(%arg7 : memref<!tpu.dma_semaphore, #tpu.memory_space<semaphore_mem>>) src(%dma_wait3A_6 : memref<8192x256xf32, #tpu.memory_space<hbm>>) dst(%arg6 : memref<256x256xf32, #tpu.memory_space<vmem>>)
    "tpu.region"() ({
      %run_scoped3A = tpu.sem_alloc : memref<!tpu.dma_semaphore, #tpu.memory_space<semaphore_mem>>
      %dma_start3A_7 = arith.constant 0 : i32
      %dma_start3A_8 = tpu.memref_slice %arg4[%mul3A_2, %dma_start3A_7] : memref<8192x256xf32, #tpu.memory_space<hbm>> -> memref<256x256xf32, #tpu.memory_space<hbm>>
      %dma_start3A_9 = arith.constant 0 : i32
      %dma_start3A_10 = tpu.memref_slice %arg4[%mul3A_2, %dma_start3A_9] : memref<8192x256xf32, #tpu.memory_space<hbm>> -> memref<256x256xf32, #tpu.memory_space<hbm>>
      tpu.enqueue_dma source(%arg6 : memref<256x256xf32, #tpu.memory_space<vmem>>) target(%dma_start3A_10 : memref<256x256xf32, #tpu.memory_space<hbm>>) target_semaphore(%run_scoped3A : memref<!tpu.dma_semaphore, #tpu.memory_space<semaphore_mem>>)
      %dma_wait3A_11 = arith.constant 0 : i32
      %dma_wait3A_12 = tpu.memref_slice %arg4[%mul3A_2, %dma_wait3A_11] : memref<8192x256xf32, #tpu.memory_space<hbm>> -> memref<256x256xf32, #tpu.memory_space<hbm>>
      %dma_wait3A_13 = arith.constant 0 : i32
      %dma_wait3A_14 = tpu.memref_slice %arg4[%mul3A_2, %dma_wait3A_13] : memref<8192x256xf32, #tpu.memory_space<hbm>> -> memref<256x256xf32, #tpu.memory_space<hbm>>
      tpu.wait_dma2 semaphore(%run_scoped3A : memref<!tpu.dma_semaphore, #tpu.memory_space<semaphore_mem>>) src(%arg6 : memref<256x256xf32, #tpu.memory_space<vmem>>) dst(%dma_wait3A_14 : memref<256x256xf32, #tpu.memory_space<hbm>>)
      tpu.yield
    }) : () -> ()
    return
  }
}

module attributes {stable_mosaic.version = 14 : i64} {
  func.func @_argmin_body(%arg0: i32, %arg1: memref<2048x256xf32, #tpu.memory_space<vmem>>, %arg2: memref<8192x256xf32, #tpu.memory_space<vmem>>, %arg3: memref<2048x1xf32, #tpu.memory_space<vmem>>, %arg4: memref<1x8192xf32, #tpu.memory_space<vmem>>, %arg5: memref<2048x1xi32, #tpu.memory_space<vmem>>, %arg6: memref<2048x1xf32, #tpu.memory_space<vmem>>) attributes {dimension_semantics = [#tpu.dimension_semantics<arbitrary>], iteration_bounds = array<i64: 4>, scalar_prefetch = 0 : i64, scratch_operands = 0 : i64, tpu.core_type = #tpu.core_type<tc>, window_params = [{transform_indices = @transform_0, window_bounds = array<i64: 2048, 256>}, {pipeline_mode = #tpu.pipeline_mode<synchronous>, transform_indices = @transform_1, window_bounds = array<i64: 8192, 256>}, {transform_indices = @transform_2, window_bounds = array<i64: 2048, 1>}, {pipeline_mode = #tpu.pipeline_mode<synchronous>, transform_indices = @transform_3, window_bounds = array<i64: 1, 8192>}, {transform_indices = @transform_4, window_bounds = array<i64: 2048, 1>}, {transform_indices = @transform_5, window_bounds = array<i64: 2048, 1>}]} {
    %get3A = arith.constant 0 : index
    %get3A_0 = arith.constant 0 : index
    %get3A_1 = vector.load %arg1[%get3A, %get3A_0] : memref<2048x256xf32, #tpu.memory_space<vmem>>, vector<2048x256xf32>
    %get3A_2 = arith.constant 0 : index
    %get3A_3 = arith.constant 0 : index
    %get3A_4 = vector.load %arg3[%get3A_2, %get3A_3] : memref<2048x1xf32, #tpu.memory_space<vmem>>, vector<2048x1xf32>
    %iota3A = tpu.iota {dimensions = array<i32: 1>} : vector<2048x128xi32>
    %get3A_5 = arith.constant 0 : index
    %get3A_6 = arith.constant 0 : index
    %get3A_7 = vector.load %arg2[%get3A_5, %get3A_6] : memref<8192x256xf32, #tpu.memory_space<vmem>>, vector<2048x256xf32>
    %dot_general3A = arith.constant dense<0.000000e+00> : vector<2048x2048xf32>
    %dot_general3A_8 = tpu.matmul %get3A_1, %get3A_7, %dot_general3A {dimension_numbers = #tpu.dot_dimension_numbers<[1], [1], [0], [0], [0, 0, 1, 0], [], []>, transpose_lhs_hint = false} : vector<2048x256xf32>, vector<2048x256xf32>, vector<2048x2048xf32> -> vector<2048x2048xf32>
    %mul3A = arith.constant 2.000000e+00 : f32
    %mul3A_9 = vector.broadcast %mul3A : f32 to vector<2048x2048xf32>
    %mul3A_10 = arith.mulf %mul3A_9, %dot_general3A_8 : vector<2048x2048xf32>
    %get3A_11 = arith.constant 0 : index
    %get3A_12 = arith.constant 0 : index
    %get3A_13 = vector.load %arg4[%get3A_11, %get3A_12] : memref<1x8192xf32, #tpu.memory_space<vmem>>, vector<1x2048xf32>
    %add3A = vector.broadcast %get3A_4 : vector<2048x1xf32> to vector<2048x2048xf32>
    %add3A_14 = vector.broadcast %get3A_13 : vector<1x2048xf32> to vector<2048x2048xf32>
    %add3A_15 = arith.addf %add3A, %add3A_14 : vector<2048x2048xf32>
    %sub3A = arith.subf %add3A_15, %mul3A_10 : vector<2048x2048xf32>
    %slice3A = vector.extract_strided_slice %sub3A {offsets = [0, 0], sizes = [2048, 128], strides = [1, 1]} : vector<2048x2048xf32> to vector<2048x128xf32>
    %broadcast_in_dim3A = arith.constant 0 : i32
    %broadcast_in_dim3A_16 = vector.broadcast %broadcast_in_dim3A : i32 to vector<2048x128xi32>
    %slice3A_17 = vector.extract_strided_slice %sub3A {offsets = [0, 128], sizes = [2048, 128], strides = [1, 1]} : vector<2048x2048xf32> to vector<2048x128xf32>
    %lt3A = arith.cmpf olt, %slice3A_17, %slice3A : vector<2048x128xf32>
    %select_n3A = arith.select %lt3A, %slice3A_17, %slice3A : vector<2048x128xi1>, vector<2048x128xf32>
    %jit3A = arith.constant 1 : i32
    %broadcast_in_dim3A_18 = vector.broadcast %jit3A : i32 to vector<2048x128xi32>
    %select_n3A_19 = arith.select %lt3A, %broadcast_in_dim3A_18, %broadcast_in_dim3A_16 : vector<2048x128xi1>, vector<2048x128xi32>
    %slice3A_20 = vector.extract_strided_slice %sub3A {offsets = [0, 256], sizes = [2048, 128], strides = [1, 1]} : vector<2048x2048xf32> to vector<2048x128xf32>
    %lt3A_21 = arith.cmpf olt, %slice3A_20, %select_n3A : vector<2048x128xf32>
    %select_n3A_22 = arith.select %lt3A_21, %slice3A_20, %select_n3A : vector<2048x128xi1>, vector<2048x128xf32>
    %jit3A_23 = arith.constant 2 : i32
    %broadcast_in_dim3A_24 = vector.broadcast %jit3A_23 : i32 to vector<2048x128xi32>
    %select_n3A_25 = arith.select %lt3A_21, %broadcast_in_dim3A_24, %select_n3A_19 : vector<2048x128xi1>, vector<2048x128xi32>
    %slice3A_26 = vector.extract_strided_slice %sub3A {offsets = [0, 384], sizes = [2048, 128], strides = [1, 1]} : vector<2048x2048xf32> to vector<2048x128xf32>
    %lt3A_27 = arith.cmpf olt, %slice3A_26, %select_n3A_22 : vector<2048x128xf32>
    %select_n3A_28 = arith.select %lt3A_27, %slice3A_26, %select_n3A_22 : vector<2048x128xi1>, vector<2048x128xf32>
    %jit3A_29 = arith.constant 3 : i32
    %broadcast_in_dim3A_30 = vector.broadcast %jit3A_29 : i32 to vector<2048x128xi32>
    %select_n3A_31 = arith.select %lt3A_27, %broadcast_in_dim3A_30, %select_n3A_25 : vector<2048x128xi1>, vector<2048x128xi32>
    %slice3A_32 = vector.extract_strided_slice %sub3A {offsets = [0, 512], sizes = [2048, 128], strides = [1, 1]} : vector<2048x2048xf32> to vector<2048x128xf32>
    %lt3A_33 = arith.cmpf olt, %slice3A_32, %select_n3A_28 : vector<2048x128xf32>
    %select_n3A_34 = arith.select %lt3A_33, %slice3A_32, %select_n3A_28 : vector<2048x128xi1>, vector<2048x128xf32>
    %jit3A_35 = arith.constant 4 : i32
    %broadcast_in_dim3A_36 = vector.broadcast %jit3A_35 : i32 to vector<2048x128xi32>
    %select_n3A_37 = arith.select %lt3A_33, %broadcast_in_dim3A_36, %select_n3A_31 : vector<2048x128xi1>, vector<2048x128xi32>
    %slice3A_38 = vector.extract_strided_slice %sub3A {offsets = [0, 640], sizes = [2048, 128], strides = [1, 1]} : vector<2048x2048xf32> to vector<2048x128xf32>
    %lt3A_39 = arith.cmpf olt, %slice3A_38, %select_n3A_34 : vector<2048x128xf32>
    %select_n3A_40 = arith.select %lt3A_39, %slice3A_38, %select_n3A_34 : vector<2048x128xi1>, vector<2048x128xf32>
    %jit3A_41 = arith.constant 5 : i32
    %broadcast_in_dim3A_42 = vector.broadcast %jit3A_41 : i32 to vector<2048x128xi32>
    %select_n3A_43 = arith.select %lt3A_39, %broadcast_in_dim3A_42, %select_n3A_37 : vector<2048x128xi1>, vector<2048x128xi32>
    %slice3A_44 = vector.extract_strided_slice %sub3A {offsets = [0, 768], sizes = [2048, 128], strides = [1, 1]} : vector<2048x2048xf32> to vector<2048x128xf32>
    %lt3A_45 = arith.cmpf olt, %slice3A_44, %select_n3A_40 : vector<2048x128xf32>
    %select_n3A_46 = arith.select %lt3A_45, %slice3A_44, %select_n3A_40 : vector<2048x128xi1>, vector<2048x128xf32>
    %jit3A_47 = arith.constant 6 : i32
    %broadcast_in_dim3A_48 = vector.broadcast %jit3A_47 : i32 to vector<2048x128xi32>
    %select_n3A_49 = arith.select %lt3A_45, %broadcast_in_dim3A_48, %select_n3A_43 : vector<2048x128xi1>, vector<2048x128xi32>
    %slice3A_50 = vector.extract_strided_slice %sub3A {offsets = [0, 896], sizes = [2048, 128], strides = [1, 1]} : vector<2048x2048xf32> to vector<2048x128xf32>
    %lt3A_51 = arith.cmpf olt, %slice3A_50, %select_n3A_46 : vector<2048x128xf32>
    %select_n3A_52 = arith.select %lt3A_51, %slice3A_50, %select_n3A_46 : vector<2048x128xi1>, vector<2048x128xf32>
    %jit3A_53 = arith.constant 7 : i32
    %broadcast_in_dim3A_54 = vector.broadcast %jit3A_53 : i32 to vector<2048x128xi32>
    %select_n3A_55 = arith.select %lt3A_51, %broadcast_in_dim3A_54, %select_n3A_49 : vector<2048x128xi1>, vector<2048x128xi32>
    %slice3A_56 = vector.extract_strided_slice %sub3A {offsets = [0, 1024], sizes = [2048, 128], strides = [1, 1]} : vector<2048x2048xf32> to vector<2048x128xf32>
    %lt3A_57 = arith.cmpf olt, %slice3A_56, %select_n3A_52 : vector<2048x128xf32>
    %select_n3A_58 = arith.select %lt3A_57, %slice3A_56, %select_n3A_52 : vector<2048x128xi1>, vector<2048x128xf32>
    %jit3A_59 = arith.constant 8 : i32
    %broadcast_in_dim3A_60 = vector.broadcast %jit3A_59 : i32 to vector<2048x128xi32>
    %select_n3A_61 = arith.select %lt3A_57, %broadcast_in_dim3A_60, %select_n3A_55 : vector<2048x128xi1>, vector<2048x128xi32>
    %slice3A_62 = vector.extract_strided_slice %sub3A {offsets = [0, 1152], sizes = [2048, 128], strides = [1, 1]} : vector<2048x2048xf32> to vector<2048x128xf32>
    %lt3A_63 = arith.cmpf olt, %slice3A_62, %select_n3A_58 : vector<2048x128xf32>
    %select_n3A_64 = arith.select %lt3A_63, %slice3A_62, %select_n3A_58 : vector<2048x128xi1>, vector<2048x128xf32>
    %jit3A_65 = arith.constant 9 : i32
    %broadcast_in_dim3A_66 = vector.broadcast %jit3A_65 : i32 to vector<2048x128xi32>
    %select_n3A_67 = arith.select %lt3A_63, %broadcast_in_dim3A_66, %select_n3A_61 : vector<2048x128xi1>, vector<2048x128xi32>
    %slice3A_68 = vector.extract_strided_slice %sub3A {offsets = [0, 1280], sizes = [2048, 128], strides = [1, 1]} : vector<2048x2048xf32> to vector<2048x128xf32>
    %lt3A_69 = arith.cmpf olt, %slice3A_68, %select_n3A_64 : vector<2048x128xf32>
    %select_n3A_70 = arith.select %lt3A_69, %slice3A_68, %select_n3A_64 : vector<2048x128xi1>, vector<2048x128xf32>
    %jit3A_71 = arith.constant 10 : i32
    %broadcast_in_dim3A_72 = vector.broadcast %jit3A_71 : i32 to vector<2048x128xi32>
    %select_n3A_73 = arith.select %lt3A_69, %broadcast_in_dim3A_72, %select_n3A_67 : vector<2048x128xi1>, vector<2048x128xi32>
    %slice3A_74 = vector.extract_strided_slice %sub3A {offsets = [0, 1408], sizes = [2048, 128], strides = [1, 1]} : vector<2048x2048xf32> to vector<2048x128xf32>
    %lt3A_75 = arith.cmpf olt, %slice3A_74, %select_n3A_70 : vector<2048x128xf32>
    %select_n3A_76 = arith.select %lt3A_75, %slice3A_74, %select_n3A_70 : vector<2048x128xi1>, vector<2048x128xf32>
    %jit3A_77 = arith.constant 11 : i32
    %broadcast_in_dim3A_78 = vector.broadcast %jit3A_77 : i32 to vector<2048x128xi32>
    %select_n3A_79 = arith.select %lt3A_75, %broadcast_in_dim3A_78, %select_n3A_73 : vector<2048x128xi1>, vector<2048x128xi32>
    %slice3A_80 = vector.extract_strided_slice %sub3A {offsets = [0, 1536], sizes = [2048, 128], strides = [1, 1]} : vector<2048x2048xf32> to vector<2048x128xf32>
    %lt3A_81 = arith.cmpf olt, %slice3A_80, %select_n3A_76 : vector<2048x128xf32>
    %select_n3A_82 = arith.select %lt3A_81, %slice3A_80, %select_n3A_76 : vector<2048x128xi1>, vector<2048x128xf32>
    %jit3A_83 = arith.constant 12 : i32
    %broadcast_in_dim3A_84 = vector.broadcast %jit3A_83 : i32 to vector<2048x128xi32>
    %select_n3A_85 = arith.select %lt3A_81, %broadcast_in_dim3A_84, %select_n3A_79 : vector<2048x128xi1>, vector<2048x128xi32>
    %slice3A_86 = vector.extract_strided_slice %sub3A {offsets = [0, 1664], sizes = [2048, 128], strides = [1, 1]} : vector<2048x2048xf32> to vector<2048x128xf32>
    %lt3A_87 = arith.cmpf olt, %slice3A_86, %select_n3A_82 : vector<2048x128xf32>
    %select_n3A_88 = arith.select %lt3A_87, %slice3A_86, %select_n3A_82 : vector<2048x128xi1>, vector<2048x128xf32>
    %jit3A_89 = arith.constant 13 : i32
    %broadcast_in_dim3A_90 = vector.broadcast %jit3A_89 : i32 to vector<2048x128xi32>
    %select_n3A_91 = arith.select %lt3A_87, %broadcast_in_dim3A_90, %select_n3A_85 : vector<2048x128xi1>, vector<2048x128xi32>
    %slice3A_92 = vector.extract_strided_slice %sub3A {offsets = [0, 1792], sizes = [2048, 128], strides = [1, 1]} : vector<2048x2048xf32> to vector<2048x128xf32>
    %lt3A_93 = arith.cmpf olt, %slice3A_92, %select_n3A_88 : vector<2048x128xf32>
    %select_n3A_94 = arith.select %lt3A_93, %slice3A_92, %select_n3A_88 : vector<2048x128xi1>, vector<2048x128xf32>
    %jit3A_95 = arith.constant 14 : i32
    %broadcast_in_dim3A_96 = vector.broadcast %jit3A_95 : i32 to vector<2048x128xi32>
    %select_n3A_97 = arith.select %lt3A_93, %broadcast_in_dim3A_96, %select_n3A_91 : vector<2048x128xi1>, vector<2048x128xi32>
    %slice3A_98 = vector.extract_strided_slice %sub3A {offsets = [0, 1920], sizes = [2048, 128], strides = [1, 1]} : vector<2048x2048xf32> to vector<2048x128xf32>
    %lt3A_99 = arith.cmpf olt, %slice3A_98, %select_n3A_94 : vector<2048x128xf32>
    %select_n3A_100 = arith.select %lt3A_99, %slice3A_98, %select_n3A_94 : vector<2048x128xi1>, vector<2048x128xf32>
    %jit3A_101 = arith.constant 15 : i32
    %broadcast_in_dim3A_102 = vector.broadcast %jit3A_101 : i32 to vector<2048x128xi32>
    %select_n3A_103 = arith.select %lt3A_99, %broadcast_in_dim3A_102, %select_n3A_97 : vector<2048x128xi1>, vector<2048x128xi32>
    %reduce_min3A = arith.constant dense<0x7F800000> : vector<2048xf32>
    %reduce_min3A_104 = vector.multi_reduction <minimumf>, %select_n3A_100, %reduce_min3A [1] : vector<2048x128xf32> to vector<2048xf32>
    %broadcast_in_dim3A_105 = vector.shape_cast %reduce_min3A_104 : vector<2048xf32> to vector<2048x1xf32>
    %mul3A_106 = arith.constant 128 : i32
    %mul3A_107 = vector.broadcast %mul3A_106 : i32 to vector<2048x128xi32>
    %mul3A_108 = arith.muli %select_n3A_103, %mul3A_107 : vector<2048x128xi32>
    %add3A_109 = arith.addi %mul3A_108, %iota3A : vector<2048x128xi32>
    %add3A_110 = arith.constant 0 : i32
    %add3A_111 = vector.broadcast %add3A_110 : i32 to vector<2048x128xi32>
    %add3A_112 = arith.addi %add3A_109, %add3A_111 : vector<2048x128xi32>
    %eq3A = vector.broadcast %broadcast_in_dim3A_105 : vector<2048x1xf32> to vector<2048x128xf32>
    %eq3A_113 = arith.cmpf oeq, %select_n3A_100, %eq3A : vector<2048x128xf32>
    %jit3A_114 = arith.constant 2147483647 : i32
    %broadcast_in_dim3A_115 = vector.broadcast %jit3A_114 : i32 to vector<2048x128xi32>
    %select_n3A_116 = arith.select %eq3A_113, %add3A_112, %broadcast_in_dim3A_115 : vector<2048x128xi1>, vector<2048x128xi32>
    %reduce_min3A_117 = arith.constant dense<2147483647> : vector<2048xi32>
    %reduce_min3A_118 = vector.multi_reduction <minsi>, %select_n3A_116, %reduce_min3A_117 [1] : vector<2048x128xi32> to vector<2048xi32>
    %broadcast_in_dim3A_119 = vector.shape_cast %reduce_min3A_118 : vector<2048xi32> to vector<2048x1xi32>
    %convert_element_type3A = arith.truncf %broadcast_in_dim3A_105 : vector<2048x1xf32> to vector<2048x1xbf16>
    %convert_element_type3A_120 = arith.extf %convert_element_type3A : vector<2048x1xbf16> to vector<2048x1xf32>
    %get3A_121 = arith.constant 2048 : index
    %get3A_122 = arith.constant 0 : index
    %get3A_123 = vector.load %arg2[%get3A_121, %get3A_122] : memref<8192x256xf32, #tpu.memory_space<vmem>>, vector<2048x256xf32>
    %dot_general3A_124 = arith.constant dense<0.000000e+00> : vector<2048x2048xf32>
    %dot_general3A_125 = tpu.matmul %get3A_1, %get3A_123, %dot_general3A_124 {dimension_numbers = #tpu.dot_dimension_numbers<[1], [1], [0], [0], [0, 0, 1, 0], [], []>, transpose_lhs_hint = false} : vector<2048x256xf32>, vector<2048x256xf32>, vector<2048x2048xf32> -> vector<2048x2048xf32>
    %mul3A_126 = arith.constant 2.000000e+00 : f32
    %mul3A_127 = vector.broadcast %mul3A_126 : f32 to vector<2048x2048xf32>
    %mul3A_128 = arith.mulf %mul3A_127, %dot_general3A_125 : vector<2048x2048xf32>
    %get3A_129 = arith.constant 0 : index
    %get3A_130 = arith.constant 2048 : index
    %get3A_131 = vector.load %arg4[%get3A_129, %get3A_130] : memref<1x8192xf32, #tpu.memory_space<vmem>>, vector<1x2048xf32>
    %add3A_132 = vector.broadcast %get3A_4 : vector<2048x1xf32> to vector<2048x2048xf32>
    %add3A_133 = vector.broadcast %get3A_131 : vector<1x2048xf32> to vector<2048x2048xf32>
    %add3A_134 = arith.addf %add3A_132, %add3A_133 : vector<2048x2048xf32>
    %sub3A_135 = arith.subf %add3A_134, %mul3A_128 : vector<2048x2048xf32>
    %slice3A_136 = vector.extract_strided_slice %sub3A_135 {offsets = [0, 0], sizes = [2048, 128], strides = [1, 1]} : vector<2048x2048xf32> to vector<2048x128xf32>
    %broadcast_in_dim3A_137 = arith.constant 0 : i32
    %broadcast_in_dim3A_138 = vector.broadcast %broadcast_in_dim3A_137 : i32 to vector<2048x128xi32>
    %slice3A_139 = vector.extract_strided_slice %sub3A_135 {offsets = [0, 128], sizes = [2048, 128], strides = [1, 1]} : vector<2048x2048xf32> to vector<2048x128xf32>
    %lt3A_140 = arith.cmpf olt, %slice3A_139, %slice3A_136 : vector<2048x128xf32>
    %select_n3A_141 = arith.select %lt3A_140, %slice3A_139, %slice3A_136 : vector<2048x128xi1>, vector<2048x128xf32>
    %jit3A_142 = arith.constant 1 : i32
    %broadcast_in_dim3A_143 = vector.broadcast %jit3A_142 : i32 to vector<2048x128xi32>
    %select_n3A_144 = arith.select %lt3A_140, %broadcast_in_dim3A_143, %broadcast_in_dim3A_138 : vector<2048x128xi1>, vector<2048x128xi32>
    %slice3A_145 = vector.extract_strided_slice %sub3A_135 {offsets = [0, 256], sizes = [2048, 128], strides = [1, 1]} : vector<2048x2048xf32> to vector<2048x128xf32>
    %lt3A_146 = arith.cmpf olt, %slice3A_145, %select_n3A_141 : vector<2048x128xf32>
    %select_n3A_147 = arith.select %lt3A_146, %slice3A_145, %select_n3A_141 : vector<2048x128xi1>, vector<2048x128xf32>
    %jit3A_148 = arith.constant 2 : i32
    %broadcast_in_dim3A_149 = vector.broadcast %jit3A_148 : i32 to vector<2048x128xi32>
    %select_n3A_150 = arith.select %lt3A_146, %broadcast_in_dim3A_149, %select_n3A_144 : vector<2048x128xi1>, vector<2048x128xi32>
    %slice3A_151 = vector.extract_strided_slice %sub3A_135 {offsets = [0, 384], sizes = [2048, 128], strides = [1, 1]} : vector<2048x2048xf32> to vector<2048x128xf32>
    %lt3A_152 = arith.cmpf olt, %slice3A_151, %select_n3A_147 : vector<2048x128xf32>
    %select_n3A_153 = arith.select %lt3A_152, %slice3A_151, %select_n3A_147 : vector<2048x128xi1>, vector<2048x128xf32>
    %jit3A_154 = arith.constant 3 : i32
    %broadcast_in_dim3A_155 = vector.broadcast %jit3A_154 : i32 to vector<2048x128xi32>
    %select_n3A_156 = arith.select %lt3A_152, %broadcast_in_dim3A_155, %select_n3A_150 : vector<2048x128xi1>, vector<2048x128xi32>
    %slice3A_157 = vector.extract_strided_slice %sub3A_135 {offsets = [0, 512], sizes = [2048, 128], strides = [1, 1]} : vector<2048x2048xf32> to vector<2048x128xf32>
    %lt3A_158 = arith.cmpf olt, %slice3A_157, %select_n3A_153 : vector<2048x128xf32>
    %select_n3A_159 = arith.select %lt3A_158, %slice3A_157, %select_n3A_153 : vector<2048x128xi1>, vector<2048x128xf32>
    %jit3A_160 = arith.constant 4 : i32
    %broadcast_in_dim3A_161 = vector.broadcast %jit3A_160 : i32 to vector<2048x128xi32>
    %select_n3A_162 = arith.select %lt3A_158, %broadcast_in_dim3A_161, %select_n3A_156 : vector<2048x128xi1>, vector<2048x128xi32>
    %slice3A_163 = vector.extract_strided_slice %sub3A_135 {offsets = [0, 640], sizes = [2048, 128], strides = [1, 1]} : vector<2048x2048xf32> to vector<2048x128xf32>
    %lt3A_164 = arith.cmpf olt, %slice3A_163, %select_n3A_159 : vector<2048x128xf32>
    %select_n3A_165 = arith.select %lt3A_164, %slice3A_163, %select_n3A_159 : vector<2048x128xi1>, vector<2048x128xf32>
    %jit3A_166 = arith.constant 5 : i32
    %broadcast_in_dim3A_167 = vector.broadcast %jit3A_166 : i32 to vector<2048x128xi32>
    %select_n3A_168 = arith.select %lt3A_164, %broadcast_in_dim3A_167, %select_n3A_162 : vector<2048x128xi1>, vector<2048x128xi32>
    %slice3A_169 = vector.extract_strided_slice %sub3A_135 {offsets = [0, 768], sizes = [2048, 128], strides = [1, 1]} : vector<2048x2048xf32> to vector<2048x128xf32>
    %lt3A_170 = arith.cmpf olt, %slice3A_169, %select_n3A_165 : vector<2048x128xf32>
    %select_n3A_171 = arith.select %lt3A_170, %slice3A_169, %select_n3A_165 : vector<2048x128xi1>, vector<2048x128xf32>
    %jit3A_172 = arith.constant 6 : i32
    %broadcast_in_dim3A_173 = vector.broadcast %jit3A_172 : i32 to vector<2048x128xi32>
    %select_n3A_174 = arith.select %lt3A_170, %broadcast_in_dim3A_173, %select_n3A_168 : vector<2048x128xi1>, vector<2048x128xi32>
    %slice3A_175 = vector.extract_strided_slice %sub3A_135 {offsets = [0, 896], sizes = [2048, 128], strides = [1, 1]} : vector<2048x2048xf32> to vector<2048x128xf32>
    %lt3A_176 = arith.cmpf olt, %slice3A_175, %select_n3A_171 : vector<2048x128xf32>
    %select_n3A_177 = arith.select %lt3A_176, %slice3A_175, %select_n3A_171 : vector<2048x128xi1>, vector<2048x128xf32>
    %jit3A_178 = arith.constant 7 : i32
    %broadcast_in_dim3A_179 = vector.broadcast %jit3A_178 : i32 to vector<2048x128xi32>
    %select_n3A_180 = arith.select %lt3A_176, %broadcast_in_dim3A_179, %select_n3A_174 : vector<2048x128xi1>, vector<2048x128xi32>
    %slice3A_181 = vector.extract_strided_slice %sub3A_135 {offsets = [0, 1024], sizes = [2048, 128], strides = [1, 1]} : vector<2048x2048xf32> to vector<2048x128xf32>
    %lt3A_182 = arith.cmpf olt, %slice3A_181, %select_n3A_177 : vector<2048x128xf32>
    %select_n3A_183 = arith.select %lt3A_182, %slice3A_181, %select_n3A_177 : vector<2048x128xi1>, vector<2048x128xf32>
    %jit3A_184 = arith.constant 8 : i32
    %broadcast_in_dim3A_185 = vector.broadcast %jit3A_184 : i32 to vector<2048x128xi32>
    %select_n3A_186 = arith.select %lt3A_182, %broadcast_in_dim3A_185, %select_n3A_180 : vector<2048x128xi1>, vector<2048x128xi32>
    %slice3A_187 = vector.extract_strided_slice %sub3A_135 {offsets = [0, 1152], sizes = [2048, 128], strides = [1, 1]} : vector<2048x2048xf32> to vector<2048x128xf32>
    %lt3A_188 = arith.cmpf olt, %slice3A_187, %select_n3A_183 : vector<2048x128xf32>
    %select_n3A_189 = arith.select %lt3A_188, %slice3A_187, %select_n3A_183 : vector<2048x128xi1>, vector<2048x128xf32>
    %jit3A_190 = arith.constant 9 : i32
    %broadcast_in_dim3A_191 = vector.broadcast %jit3A_190 : i32 to vector<2048x128xi32>
    %select_n3A_192 = arith.select %lt3A_188, %broadcast_in_dim3A_191, %select_n3A_186 : vector<2048x128xi1>, vector<2048x128xi32>
    %slice3A_193 = vector.extract_strided_slice %sub3A_135 {offsets = [0, 1280], sizes = [2048, 128], strides = [1, 1]} : vector<2048x2048xf32> to vector<2048x128xf32>
    %lt3A_194 = arith.cmpf olt, %slice3A_193, %select_n3A_189 : vector<2048x128xf32>
    %select_n3A_195 = arith.select %lt3A_194, %slice3A_193, %select_n3A_189 : vector<2048x128xi1>, vector<2048x128xf32>
    %jit3A_196 = arith.constant 10 : i32
    %broadcast_in_dim3A_197 = vector.broadcast %jit3A_196 : i32 to vector<2048x128xi32>
    %select_n3A_198 = arith.select %lt3A_194, %broadcast_in_dim3A_197, %select_n3A_192 : vector<2048x128xi1>, vector<2048x128xi32>
    %slice3A_199 = vector.extract_strided_slice %sub3A_135 {offsets = [0, 1408], sizes = [2048, 128], strides = [1, 1]} : vector<2048x2048xf32> to vector<2048x128xf32>
    %lt3A_200 = arith.cmpf olt, %slice3A_199, %select_n3A_195 : vector<2048x128xf32>
    %select_n3A_201 = arith.select %lt3A_200, %slice3A_199, %select_n3A_195 : vector<2048x128xi1>, vector<2048x128xf32>
    %jit3A_202 = arith.constant 11 : i32
    %broadcast_in_dim3A_203 = vector.broadcast %jit3A_202 : i32 to vector<2048x128xi32>
    %select_n3A_204 = arith.select %lt3A_200, %broadcast_in_dim3A_203, %select_n3A_198 : vector<2048x128xi1>, vector<2048x128xi32>
    %slice3A_205 = vector.extract_strided_slice %sub3A_135 {offsets = [0, 1536], sizes = [2048, 128], strides = [1, 1]} : vector<2048x2048xf32> to vector<2048x128xf32>
    %lt3A_206 = arith.cmpf olt, %slice3A_205, %select_n3A_201 : vector<2048x128xf32>
    %select_n3A_207 = arith.select %lt3A_206, %slice3A_205, %select_n3A_201 : vector<2048x128xi1>, vector<2048x128xf32>
    %jit3A_208 = arith.constant 12 : i32
    %broadcast_in_dim3A_209 = vector.broadcast %jit3A_208 : i32 to vector<2048x128xi32>
    %select_n3A_210 = arith.select %lt3A_206, %broadcast_in_dim3A_209, %select_n3A_204 : vector<2048x128xi1>, vector<2048x128xi32>
    %slice3A_211 = vector.extract_strided_slice %sub3A_135 {offsets = [0, 1664], sizes = [2048, 128], strides = [1, 1]} : vector<2048x2048xf32> to vector<2048x128xf32>
    %lt3A_212 = arith.cmpf olt, %slice3A_211, %select_n3A_207 : vector<2048x128xf32>
    %select_n3A_213 = arith.select %lt3A_212, %slice3A_211, %select_n3A_207 : vector<2048x128xi1>, vector<2048x128xf32>
    %jit3A_214 = arith.constant 13 : i32
    %broadcast_in_dim3A_215 = vector.broadcast %jit3A_214 : i32 to vector<2048x128xi32>
    %select_n3A_216 = arith.select %lt3A_212, %broadcast_in_dim3A_215, %select_n3A_210 : vector<2048x128xi1>, vector<2048x128xi32>
    %slice3A_217 = vector.extract_strided_slice %sub3A_135 {offsets = [0, 1792], sizes = [2048, 128], strides = [1, 1]} : vector<2048x2048xf32> to vector<2048x128xf32>
    %lt3A_218 = arith.cmpf olt, %slice3A_217, %select_n3A_213 : vector<2048x128xf32>
    %select_n3A_219 = arith.select %lt3A_218, %slice3A_217, %select_n3A_213 : vector<2048x128xi1>, vector<2048x128xf32>
    %jit3A_220 = arith.constant 14 : i32
    %broadcast_in_dim3A_221 = vector.broadcast %jit3A_220 : i32 to vector<2048x128xi32>
    %select_n3A_222 = arith.select %lt3A_218, %broadcast_in_dim3A_221, %select_n3A_216 : vector<2048x128xi1>, vector<2048x128xi32>
    %slice3A_223 = vector.extract_strided_slice %sub3A_135 {offsets = [0, 1920], sizes = [2048, 128], strides = [1, 1]} : vector<2048x2048xf32> to vector<2048x128xf32>
    %lt3A_224 = arith.cmpf olt, %slice3A_223, %select_n3A_219 : vector<2048x128xf32>
    %select_n3A_225 = arith.select %lt3A_224, %slice3A_223, %select_n3A_219 : vector<2048x128xi1>, vector<2048x128xf32>
    %jit3A_226 = arith.constant 15 : i32
    %broadcast_in_dim3A_227 = vector.broadcast %jit3A_226 : i32 to vector<2048x128xi32>
    %select_n3A_228 = arith.select %lt3A_224, %broadcast_in_dim3A_227, %select_n3A_222 : vector<2048x128xi1>, vector<2048x128xi32>
    %reduce_min3A_229 = arith.constant dense<0x7F800000> : vector<2048xf32>
    %reduce_min3A_230 = vector.multi_reduction <minimumf>, %select_n3A_225, %reduce_min3A_229 [1] : vector<2048x128xf32> to vector<2048xf32>
    %broadcast_in_dim3A_231 = vector.shape_cast %reduce_min3A_230 : vector<2048xf32> to vector<2048x1xf32>
    %mul3A_232 = arith.constant 128 : i32
    %mul3A_233 = vector.broadcast %mul3A_232 : i32 to vector<2048x128xi32>
    %mul3A_234 = arith.muli %select_n3A_228, %mul3A_233 : vector<2048x128xi32>
    %add3A_235 = arith.addi %mul3A_234, %iota3A : vector<2048x128xi32>
    %add3A_236 = arith.constant 2048 : i32
    %add3A_237 = vector.broadcast %add3A_236 : i32 to vector<2048x128xi32>
    %add3A_238 = arith.addi %add3A_235, %add3A_237 : vector<2048x128xi32>
    %eq3A_239 = vector.broadcast %broadcast_in_dim3A_231 : vector<2048x1xf32> to vector<2048x128xf32>
    %eq3A_240 = arith.cmpf oeq, %select_n3A_225, %eq3A_239 : vector<2048x128xf32>
    %jit3A_241 = arith.constant 2147483647 : i32
    %broadcast_in_dim3A_242 = vector.broadcast %jit3A_241 : i32 to vector<2048x128xi32>
    %select_n3A_243 = arith.select %eq3A_240, %add3A_238, %broadcast_in_dim3A_242 : vector<2048x128xi1>, vector<2048x128xi32>
    %reduce_min3A_244 = arith.constant dense<2147483647> : vector<2048xi32>
    %reduce_min3A_245 = vector.multi_reduction <minsi>, %select_n3A_243, %reduce_min3A_244 [1] : vector<2048x128xi32> to vector<2048xi32>
    %broadcast_in_dim3A_246 = vector.shape_cast %reduce_min3A_245 : vector<2048xi32> to vector<2048x1xi32>
    %lt3A_247 = arith.cmpf olt, %broadcast_in_dim3A_231, %convert_element_type3A_120 : vector<2048x1xf32>
    %select_n3A_248 = arith.select %lt3A_247, %broadcast_in_dim3A_246, %broadcast_in_dim3A_119 : vector<2048x1xi1>, vector<2048x1xi32>
    %select_n3A_249 = arith.select %lt3A_247, %broadcast_in_dim3A_231, %broadcast_in_dim3A_105 : vector<2048x1xi1>, vector<2048x1xf32>
    %convert_element_type3A_250 = arith.truncf %select_n3A_249 : vector<2048x1xf32> to vector<2048x1xbf16>
    %convert_element_type3A_251 = arith.extf %convert_element_type3A_250 : vector<2048x1xbf16> to vector<2048x1xf32>
    %get3A_252 = arith.constant 4096 : index
    %get3A_253 = arith.constant 0 : index
    %get3A_254 = vector.load %arg2[%get3A_252, %get3A_253] : memref<8192x256xf32, #tpu.memory_space<vmem>>, vector<2048x256xf32>
    %dot_general3A_255 = arith.constant dense<0.000000e+00> : vector<2048x2048xf32>
    %dot_general3A_256 = tpu.matmul %get3A_1, %get3A_254, %dot_general3A_255 {dimension_numbers = #tpu.dot_dimension_numbers<[1], [1], [0], [0], [0, 0, 1, 0], [], []>, transpose_lhs_hint = false} : vector<2048x256xf32>, vector<2048x256xf32>, vector<2048x2048xf32> -> vector<2048x2048xf32>
    %mul3A_257 = arith.constant 2.000000e+00 : f32
    %mul3A_258 = vector.broadcast %mul3A_257 : f32 to vector<2048x2048xf32>
    %mul3A_259 = arith.mulf %mul3A_258, %dot_general3A_256 : vector<2048x2048xf32>
    %get3A_260 = arith.constant 0 : index
    %get3A_261 = arith.constant 4096 : index
    %get3A_262 = vector.load %arg4[%get3A_260, %get3A_261] : memref<1x8192xf32, #tpu.memory_space<vmem>>, vector<1x2048xf32>
    %add3A_263 = vector.broadcast %get3A_4 : vector<2048x1xf32> to vector<2048x2048xf32>
    %add3A_264 = vector.broadcast %get3A_262 : vector<1x2048xf32> to vector<2048x2048xf32>
    %add3A_265 = arith.addf %add3A_263, %add3A_264 : vector<2048x2048xf32>
    %sub3A_266 = arith.subf %add3A_265, %mul3A_259 : vector<2048x2048xf32>
    %slice3A_267 = vector.extract_strided_slice %sub3A_266 {offsets = [0, 0], sizes = [2048, 128], strides = [1, 1]} : vector<2048x2048xf32> to vector<2048x128xf32>
    %broadcast_in_dim3A_268 = arith.constant 0 : i32
    %broadcast_in_dim3A_269 = vector.broadcast %broadcast_in_dim3A_268 : i32 to vector<2048x128xi32>
    %slice3A_270 = vector.extract_strided_slice %sub3A_266 {offsets = [0, 128], sizes = [2048, 128], strides = [1, 1]} : vector<2048x2048xf32> to vector<2048x128xf32>
    %lt3A_271 = arith.cmpf olt, %slice3A_270, %slice3A_267 : vector<2048x128xf32>
    %select_n3A_272 = arith.select %lt3A_271, %slice3A_270, %slice3A_267 : vector<2048x128xi1>, vector<2048x128xf32>
    %jit3A_273 = arith.constant 1 : i32
    %broadcast_in_dim3A_274 = vector.broadcast %jit3A_273 : i32 to vector<2048x128xi32>
    %select_n3A_275 = arith.select %lt3A_271, %broadcast_in_dim3A_274, %broadcast_in_dim3A_269 : vector<2048x128xi1>, vector<2048x128xi32>
    %slice3A_276 = vector.extract_strided_slice %sub3A_266 {offsets = [0, 256], sizes = [2048, 128], strides = [1, 1]} : vector<2048x2048xf32> to vector<2048x128xf32>
    %lt3A_277 = arith.cmpf olt, %slice3A_276, %select_n3A_272 : vector<2048x128xf32>
    %select_n3A_278 = arith.select %lt3A_277, %slice3A_276, %select_n3A_272 : vector<2048x128xi1>, vector<2048x128xf32>
    %jit3A_279 = arith.constant 2 : i32
    %broadcast_in_dim3A_280 = vector.broadcast %jit3A_279 : i32 to vector<2048x128xi32>
    %select_n3A_281 = arith.select %lt3A_277, %broadcast_in_dim3A_280, %select_n3A_275 : vector<2048x128xi1>, vector<2048x128xi32>
    %slice3A_282 = vector.extract_strided_slice %sub3A_266 {offsets = [0, 384], sizes = [2048, 128], strides = [1, 1]} : vector<2048x2048xf32> to vector<2048x128xf32>
    %lt3A_283 = arith.cmpf olt, %slice3A_282, %select_n3A_278 : vector<2048x128xf32>
    %select_n3A_284 = arith.select %lt3A_283, %slice3A_282, %select_n3A_278 : vector<2048x128xi1>, vector<2048x128xf32>
    %jit3A_285 = arith.constant 3 : i32
    %broadcast_in_dim3A_286 = vector.broadcast %jit3A_285 : i32 to vector<2048x128xi32>
    %select_n3A_287 = arith.select %lt3A_283, %broadcast_in_dim3A_286, %select_n3A_281 : vector<2048x128xi1>, vector<2048x128xi32>
    %slice3A_288 = vector.extract_strided_slice %sub3A_266 {offsets = [0, 512], sizes = [2048, 128], strides = [1, 1]} : vector<2048x2048xf32> to vector<2048x128xf32>
    %lt3A_289 = arith.cmpf olt, %slice3A_288, %select_n3A_284 : vector<2048x128xf32>
    %select_n3A_290 = arith.select %lt3A_289, %slice3A_288, %select_n3A_284 : vector<2048x128xi1>, vector<2048x128xf32>
    %jit3A_291 = arith.constant 4 : i32
    %broadcast_in_dim3A_292 = vector.broadcast %jit3A_291 : i32 to vector<2048x128xi32>
    %select_n3A_293 = arith.select %lt3A_289, %broadcast_in_dim3A_292, %select_n3A_287 : vector<2048x128xi1>, vector<2048x128xi32>
    %slice3A_294 = vector.extract_strided_slice %sub3A_266 {offsets = [0, 640], sizes = [2048, 128], strides = [1, 1]} : vector<2048x2048xf32> to vector<2048x128xf32>
    %lt3A_295 = arith.cmpf olt, %slice3A_294, %select_n3A_290 : vector<2048x128xf32>
    %select_n3A_296 = arith.select %lt3A_295, %slice3A_294, %select_n3A_290 : vector<2048x128xi1>, vector<2048x128xf32>
    %jit3A_297 = arith.constant 5 : i32
    %broadcast_in_dim3A_298 = vector.broadcast %jit3A_297 : i32 to vector<2048x128xi32>
    %select_n3A_299 = arith.select %lt3A_295, %broadcast_in_dim3A_298, %select_n3A_293 : vector<2048x128xi1>, vector<2048x128xi32>
    %slice3A_300 = vector.extract_strided_slice %sub3A_266 {offsets = [0, 768], sizes = [2048, 128], strides = [1, 1]} : vector<2048x2048xf32> to vector<2048x128xf32>
    %lt3A_301 = arith.cmpf olt, %slice3A_300, %select_n3A_296 : vector<2048x128xf32>
    %select_n3A_302 = arith.select %lt3A_301, %slice3A_300, %select_n3A_296 : vector<2048x128xi1>, vector<2048x128xf32>
    %jit3A_303 = arith.constant 6 : i32
    %broadcast_in_dim3A_304 = vector.broadcast %jit3A_303 : i32 to vector<2048x128xi32>
    %select_n3A_305 = arith.select %lt3A_301, %broadcast_in_dim3A_304, %select_n3A_299 : vector<2048x128xi1>, vector<2048x128xi32>
    %slice3A_306 = vector.extract_strided_slice %sub3A_266 {offsets = [0, 896], sizes = [2048, 128], strides = [1, 1]} : vector<2048x2048xf32> to vector<2048x128xf32>
    %lt3A_307 = arith.cmpf olt, %slice3A_306, %select_n3A_302 : vector<2048x128xf32>
    %select_n3A_308 = arith.select %lt3A_307, %slice3A_306, %select_n3A_302 : vector<2048x128xi1>, vector<2048x128xf32>
    %jit3A_309 = arith.constant 7 : i32
    %broadcast_in_dim3A_310 = vector.broadcast %jit3A_309 : i32 to vector<2048x128xi32>
    %select_n3A_311 = arith.select %lt3A_307, %broadcast_in_dim3A_310, %select_n3A_305 : vector<2048x128xi1>, vector<2048x128xi32>
    %slice3A_312 = vector.extract_strided_slice %sub3A_266 {offsets = [0, 1024], sizes = [2048, 128], strides = [1, 1]} : vector<2048x2048xf32> to vector<2048x128xf32>
    %lt3A_313 = arith.cmpf olt, %slice3A_312, %select_n3A_308 : vector<2048x128xf32>
    %select_n3A_314 = arith.select %lt3A_313, %slice3A_312, %select_n3A_308 : vector<2048x128xi1>, vector<2048x128xf32>
    %jit3A_315 = arith.constant 8 : i32
    %broadcast_in_dim3A_316 = vector.broadcast %jit3A_315 : i32 to vector<2048x128xi32>
    %select_n3A_317 = arith.select %lt3A_313, %broadcast_in_dim3A_316, %select_n3A_311 : vector<2048x128xi1>, vector<2048x128xi32>
    %slice3A_318 = vector.extract_strided_slice %sub3A_266 {offsets = [0, 1152], sizes = [2048, 128], strides = [1, 1]} : vector<2048x2048xf32> to vector<2048x128xf32>
    %lt3A_319 = arith.cmpf olt, %slice3A_318, %select_n3A_314 : vector<2048x128xf32>
    %select_n3A_320 = arith.select %lt3A_319, %slice3A_318, %select_n3A_314 : vector<2048x128xi1>, vector<2048x128xf32>
    %jit3A_321 = arith.constant 9 : i32
    %broadcast_in_dim3A_322 = vector.broadcast %jit3A_321 : i32 to vector<2048x128xi32>
    %select_n3A_323 = arith.select %lt3A_319, %broadcast_in_dim3A_322, %select_n3A_317 : vector<2048x128xi1>, vector<2048x128xi32>
    %slice3A_324 = vector.extract_strided_slice %sub3A_266 {offsets = [0, 1280], sizes = [2048, 128], strides = [1, 1]} : vector<2048x2048xf32> to vector<2048x128xf32>
    %lt3A_325 = arith.cmpf olt, %slice3A_324, %select_n3A_320 : vector<2048x128xf32>
    %select_n3A_326 = arith.select %lt3A_325, %slice3A_324, %select_n3A_320 : vector<2048x128xi1>, vector<2048x128xf32>
    %jit3A_327 = arith.constant 10 : i32
    %broadcast_in_dim3A_328 = vector.broadcast %jit3A_327 : i32 to vector<2048x128xi32>
    %select_n3A_329 = arith.select %lt3A_325, %broadcast_in_dim3A_328, %select_n3A_323 : vector<2048x128xi1>, vector<2048x128xi32>
    %slice3A_330 = vector.extract_strided_slice %sub3A_266 {offsets = [0, 1408], sizes = [2048, 128], strides = [1, 1]} : vector<2048x2048xf32> to vector<2048x128xf32>
    %lt3A_331 = arith.cmpf olt, %slice3A_330, %select_n3A_326 : vector<2048x128xf32>
    %select_n3A_332 = arith.select %lt3A_331, %slice3A_330, %select_n3A_326 : vector<2048x128xi1>, vector<2048x128xf32>
    %jit3A_333 = arith.constant 11 : i32
    %broadcast_in_dim3A_334 = vector.broadcast %jit3A_333 : i32 to vector<2048x128xi32>
    %select_n3A_335 = arith.select %lt3A_331, %broadcast_in_dim3A_334, %select_n3A_329 : vector<2048x128xi1>, vector<2048x128xi32>
    %slice3A_336 = vector.extract_strided_slice %sub3A_266 {offsets = [0, 1536], sizes = [2048, 128], strides = [1, 1]} : vector<2048x2048xf32> to vector<2048x128xf32>
    %lt3A_337 = arith.cmpf olt, %slice3A_336, %select_n3A_332 : vector<2048x128xf32>
    %select_n3A_338 = arith.select %lt3A_337, %slice3A_336, %select_n3A_332 : vector<2048x128xi1>, vector<2048x128xf32>
    %jit3A_339 = arith.constant 12 : i32
    %broadcast_in_dim3A_340 = vector.broadcast %jit3A_339 : i32 to vector<2048x128xi32>
    %select_n3A_341 = arith.select %lt3A_337, %broadcast_in_dim3A_340, %select_n3A_335 : vector<2048x128xi1>, vector<2048x128xi32>
    %slice3A_342 = vector.extract_strided_slice %sub3A_266 {offsets = [0, 1664], sizes = [2048, 128], strides = [1, 1]} : vector<2048x2048xf32> to vector<2048x128xf32>
    %lt3A_343 = arith.cmpf olt, %slice3A_342, %select_n3A_338 : vector<2048x128xf32>
    %select_n3A_344 = arith.select %lt3A_343, %slice3A_342, %select_n3A_338 : vector<2048x128xi1>, vector<2048x128xf32>
    %jit3A_345 = arith.constant 13 : i32
    %broadcast_in_dim3A_346 = vector.broadcast %jit3A_345 : i32 to vector<2048x128xi32>
    %select_n3A_347 = arith.select %lt3A_343, %broadcast_in_dim3A_346, %select_n3A_341 : vector<2048x128xi1>, vector<2048x128xi32>
    %slice3A_348 = vector.extract_strided_slice %sub3A_266 {offsets = [0, 1792], sizes = [2048, 128], strides = [1, 1]} : vector<2048x2048xf32> to vector<2048x128xf32>
    %lt3A_349 = arith.cmpf olt, %slice3A_348, %select_n3A_344 : vector<2048x128xf32>
    %select_n3A_350 = arith.select %lt3A_349, %slice3A_348, %select_n3A_344 : vector<2048x128xi1>, vector<2048x128xf32>
    %jit3A_351 = arith.constant 14 : i32
    %broadcast_in_dim3A_352 = vector.broadcast %jit3A_351 : i32 to vector<2048x128xi32>
    %select_n3A_353 = arith.select %lt3A_349, %broadcast_in_dim3A_352, %select_n3A_347 : vector<2048x128xi1>, vector<2048x128xi32>
    %slice3A_354 = vector.extract_strided_slice %sub3A_266 {offsets = [0, 1920], sizes = [2048, 128], strides = [1, 1]} : vector<2048x2048xf32> to vector<2048x128xf32>
    %lt3A_355 = arith.cmpf olt, %slice3A_354, %select_n3A_350 : vector<2048x128xf32>
    %select_n3A_356 = arith.select %lt3A_355, %slice3A_354, %select_n3A_350 : vector<2048x128xi1>, vector<2048x128xf32>
    %jit3A_357 = arith.constant 15 : i32
    %broadcast_in_dim3A_358 = vector.broadcast %jit3A_357 : i32 to vector<2048x128xi32>
    %select_n3A_359 = arith.select %lt3A_355, %broadcast_in_dim3A_358, %select_n3A_353 : vector<2048x128xi1>, vector<2048x128xi32>
    %reduce_min3A_360 = arith.constant dense<0x7F800000> : vector<2048xf32>
    %reduce_min3A_361 = vector.multi_reduction <minimumf>, %select_n3A_356, %reduce_min3A_360 [1] : vector<2048x128xf32> to vector<2048xf32>
    %broadcast_in_dim3A_362 = vector.shape_cast %reduce_min3A_361 : vector<2048xf32> to vector<2048x1xf32>
    %mul3A_363 = arith.constant 128 : i32
    %mul3A_364 = vector.broadcast %mul3A_363 : i32 to vector<2048x128xi32>
    %mul3A_365 = arith.muli %select_n3A_359, %mul3A_364 : vector<2048x128xi32>
    %add3A_366 = arith.addi %mul3A_365, %iota3A : vector<2048x128xi32>
    %add3A_367 = arith.constant 4096 : i32
    %add3A_368 = vector.broadcast %add3A_367 : i32 to vector<2048x128xi32>
    %add3A_369 = arith.addi %add3A_366, %add3A_368 : vector<2048x128xi32>
    %eq3A_370 = vector.broadcast %broadcast_in_dim3A_362 : vector<2048x1xf32> to vector<2048x128xf32>
    %eq3A_371 = arith.cmpf oeq, %select_n3A_356, %eq3A_370 : vector<2048x128xf32>
    %jit3A_372 = arith.constant 2147483647 : i32
    %broadcast_in_dim3A_373 = vector.broadcast %jit3A_372 : i32 to vector<2048x128xi32>
    %select_n3A_374 = arith.select %eq3A_371, %add3A_369, %broadcast_in_dim3A_373 : vector<2048x128xi1>, vector<2048x128xi32>
    %reduce_min3A_375 = arith.constant dense<2147483647> : vector<2048xi32>
    %reduce_min3A_376 = vector.multi_reduction <minsi>, %select_n3A_374, %reduce_min3A_375 [1] : vector<2048x128xi32> to vector<2048xi32>
    %broadcast_in_dim3A_377 = vector.shape_cast %reduce_min3A_376 : vector<2048xi32> to vector<2048x1xi32>
    %lt3A_378 = arith.cmpf olt, %broadcast_in_dim3A_362, %convert_element_type3A_251 : vector<2048x1xf32>
    %select_n3A_379 = arith.select %lt3A_378, %broadcast_in_dim3A_377, %select_n3A_248 : vector<2048x1xi1>, vector<2048x1xi32>
    %select_n3A_380 = arith.select %lt3A_378, %broadcast_in_dim3A_362, %select_n3A_249 : vector<2048x1xi1>, vector<2048x1xf32>
    %convert_element_type3A_381 = arith.truncf %select_n3A_380 : vector<2048x1xf32> to vector<2048x1xbf16>
    %convert_element_type3A_382 = arith.extf %convert_element_type3A_381 : vector<2048x1xbf16> to vector<2048x1xf32>
    %get3A_383 = arith.constant 6144 : index
    %get3A_384 = arith.constant 0 : index
    %get3A_385 = vector.load %arg2[%get3A_383, %get3A_384] : memref<8192x256xf32, #tpu.memory_space<vmem>>, vector<2048x256xf32>
    %dot_general3A_386 = arith.constant dense<0.000000e+00> : vector<2048x2048xf32>
    %dot_general3A_387 = tpu.matmul %get3A_1, %get3A_385, %dot_general3A_386 {dimension_numbers = #tpu.dot_dimension_numbers<[1], [1], [0], [0], [0, 0, 1, 0], [], []>, transpose_lhs_hint = false} : vector<2048x256xf32>, vector<2048x256xf32>, vector<2048x2048xf32> -> vector<2048x2048xf32>
    %mul3A_388 = arith.constant 2.000000e+00 : f32
    %mul3A_389 = vector.broadcast %mul3A_388 : f32 to vector<2048x2048xf32>
    %mul3A_390 = arith.mulf %mul3A_389, %dot_general3A_387 : vector<2048x2048xf32>
    %get3A_391 = arith.constant 0 : index
    %get3A_392 = arith.constant 6144 : index
    %get3A_393 = vector.load %arg4[%get3A_391, %get3A_392] : memref<1x8192xf32, #tpu.memory_space<vmem>>, vector<1x2048xf32>
    %add3A_394 = vector.broadcast %get3A_4 : vector<2048x1xf32> to vector<2048x2048xf32>
    %add3A_395 = vector.broadcast %get3A_393 : vector<1x2048xf32> to vector<2048x2048xf32>
    %add3A_396 = arith.addf %add3A_394, %add3A_395 : vector<2048x2048xf32>
    %sub3A_397 = arith.subf %add3A_396, %mul3A_390 : vector<2048x2048xf32>
    %slice3A_398 = vector.extract_strided_slice %sub3A_397 {offsets = [0, 0], sizes = [2048, 128], strides = [1, 1]} : vector<2048x2048xf32> to vector<2048x128xf32>
    %broadcast_in_dim3A_399 = arith.constant 0 : i32
    %broadcast_in_dim3A_400 = vector.broadcast %broadcast_in_dim3A_399 : i32 to vector<2048x128xi32>
    %slice3A_401 = vector.extract_strided_slice %sub3A_397 {offsets = [0, 128], sizes = [2048, 128], strides = [1, 1]} : vector<2048x2048xf32> to vector<2048x128xf32>
    %lt3A_402 = arith.cmpf olt, %slice3A_401, %slice3A_398 : vector<2048x128xf32>
    %select_n3A_403 = arith.select %lt3A_402, %slice3A_401, %slice3A_398 : vector<2048x128xi1>, vector<2048x128xf32>
    %jit3A_404 = arith.constant 1 : i32
    %broadcast_in_dim3A_405 = vector.broadcast %jit3A_404 : i32 to vector<2048x128xi32>
    %select_n3A_406 = arith.select %lt3A_402, %broadcast_in_dim3A_405, %broadcast_in_dim3A_400 : vector<2048x128xi1>, vector<2048x128xi32>
    %slice3A_407 = vector.extract_strided_slice %sub3A_397 {offsets = [0, 256], sizes = [2048, 128], strides = [1, 1]} : vector<2048x2048xf32> to vector<2048x128xf32>
    %lt3A_408 = arith.cmpf olt, %slice3A_407, %select_n3A_403 : vector<2048x128xf32>
    %select_n3A_409 = arith.select %lt3A_408, %slice3A_407, %select_n3A_403 : vector<2048x128xi1>, vector<2048x128xf32>
    %jit3A_410 = arith.constant 2 : i32
    %broadcast_in_dim3A_411 = vector.broadcast %jit3A_410 : i32 to vector<2048x128xi32>
    %select_n3A_412 = arith.select %lt3A_408, %broadcast_in_dim3A_411, %select_n3A_406 : vector<2048x128xi1>, vector<2048x128xi32>
    %slice3A_413 = vector.extract_strided_slice %sub3A_397 {offsets = [0, 384], sizes = [2048, 128], strides = [1, 1]} : vector<2048x2048xf32> to vector<2048x128xf32>
    %lt3A_414 = arith.cmpf olt, %slice3A_413, %select_n3A_409 : vector<2048x128xf32>
    %select_n3A_415 = arith.select %lt3A_414, %slice3A_413, %select_n3A_409 : vector<2048x128xi1>, vector<2048x128xf32>
    %jit3A_416 = arith.constant 3 : i32
    %broadcast_in_dim3A_417 = vector.broadcast %jit3A_416 : i32 to vector<2048x128xi32>
    %select_n3A_418 = arith.select %lt3A_414, %broadcast_in_dim3A_417, %select_n3A_412 : vector<2048x128xi1>, vector<2048x128xi32>
    %slice3A_419 = vector.extract_strided_slice %sub3A_397 {offsets = [0, 512], sizes = [2048, 128], strides = [1, 1]} : vector<2048x2048xf32> to vector<2048x128xf32>
    %lt3A_420 = arith.cmpf olt, %slice3A_419, %select_n3A_415 : vector<2048x128xf32>
    %select_n3A_421 = arith.select %lt3A_420, %slice3A_419, %select_n3A_415 : vector<2048x128xi1>, vector<2048x128xf32>
    %jit3A_422 = arith.constant 4 : i32
    %broadcast_in_dim3A_423 = vector.broadcast %jit3A_422 : i32 to vector<2048x128xi32>
    %select_n3A_424 = arith.select %lt3A_420, %broadcast_in_dim3A_423, %select_n3A_418 : vector<2048x128xi1>, vector<2048x128xi32>
    %slice3A_425 = vector.extract_strided_slice %sub3A_397 {offsets = [0, 640], sizes = [2048, 128], strides = [1, 1]} : vector<2048x2048xf32> to vector<2048x128xf32>
    %lt3A_426 = arith.cmpf olt, %slice3A_425, %select_n3A_421 : vector<2048x128xf32>
    %select_n3A_427 = arith.select %lt3A_426, %slice3A_425, %select_n3A_421 : vector<2048x128xi1>, vector<2048x128xf32>
    %jit3A_428 = arith.constant 5 : i32
    %broadcast_in_dim3A_429 = vector.broadcast %jit3A_428 : i32 to vector<2048x128xi32>
    %select_n3A_430 = arith.select %lt3A_426, %broadcast_in_dim3A_429, %select_n3A_424 : vector<2048x128xi1>, vector<2048x128xi32>
    %slice3A_431 = vector.extract_strided_slice %sub3A_397 {offsets = [0, 768], sizes = [2048, 128], strides = [1, 1]} : vector<2048x2048xf32> to vector<2048x128xf32>
    %lt3A_432 = arith.cmpf olt, %slice3A_431, %select_n3A_427 : vector<2048x128xf32>
    %select_n3A_433 = arith.select %lt3A_432, %slice3A_431, %select_n3A_427 : vector<2048x128xi1>, vector<2048x128xf32>
    %jit3A_434 = arith.constant 6 : i32
    %broadcast_in_dim3A_435 = vector.broadcast %jit3A_434 : i32 to vector<2048x128xi32>
    %select_n3A_436 = arith.select %lt3A_432, %broadcast_in_dim3A_435, %select_n3A_430 : vector<2048x128xi1>, vector<2048x128xi32>
    %slice3A_437 = vector.extract_strided_slice %sub3A_397 {offsets = [0, 896], sizes = [2048, 128], strides = [1, 1]} : vector<2048x2048xf32> to vector<2048x128xf32>
    %lt3A_438 = arith.cmpf olt, %slice3A_437, %select_n3A_433 : vector<2048x128xf32>
    %select_n3A_439 = arith.select %lt3A_438, %slice3A_437, %select_n3A_433 : vector<2048x128xi1>, vector<2048x128xf32>
    %jit3A_440 = arith.constant 7 : i32
    %broadcast_in_dim3A_441 = vector.broadcast %jit3A_440 : i32 to vector<2048x128xi32>
    %select_n3A_442 = arith.select %lt3A_438, %broadcast_in_dim3A_441, %select_n3A_436 : vector<2048x128xi1>, vector<2048x128xi32>
    %slice3A_443 = vector.extract_strided_slice %sub3A_397 {offsets = [0, 1024], sizes = [2048, 128], strides = [1, 1]} : vector<2048x2048xf32> to vector<2048x128xf32>
    %lt3A_444 = arith.cmpf olt, %slice3A_443, %select_n3A_439 : vector<2048x128xf32>
    %select_n3A_445 = arith.select %lt3A_444, %slice3A_443, %select_n3A_439 : vector<2048x128xi1>, vector<2048x128xf32>
    %jit3A_446 = arith.constant 8 : i32
    %broadcast_in_dim3A_447 = vector.broadcast %jit3A_446 : i32 to vector<2048x128xi32>
    %select_n3A_448 = arith.select %lt3A_444, %broadcast_in_dim3A_447, %select_n3A_442 : vector<2048x128xi1>, vector<2048x128xi32>
    %slice3A_449 = vector.extract_strided_slice %sub3A_397 {offsets = [0, 1152], sizes = [2048, 128], strides = [1, 1]} : vector<2048x2048xf32> to vector<2048x128xf32>
    %lt3A_450 = arith.cmpf olt, %slice3A_449, %select_n3A_445 : vector<2048x128xf32>
    %select_n3A_451 = arith.select %lt3A_450, %slice3A_449, %select_n3A_445 : vector<2048x128xi1>, vector<2048x128xf32>
    %jit3A_452 = arith.constant 9 : i32
    %broadcast_in_dim3A_453 = vector.broadcast %jit3A_452 : i32 to vector<2048x128xi32>
    %select_n3A_454 = arith.select %lt3A_450, %broadcast_in_dim3A_453, %select_n3A_448 : vector<2048x128xi1>, vector<2048x128xi32>
    %slice3A_455 = vector.extract_strided_slice %sub3A_397 {offsets = [0, 1280], sizes = [2048, 128], strides = [1, 1]} : vector<2048x2048xf32> to vector<2048x128xf32>
    %lt3A_456 = arith.cmpf olt, %slice3A_455, %select_n3A_451 : vector<2048x128xf32>
    %select_n3A_457 = arith.select %lt3A_456, %slice3A_455, %select_n3A_451 : vector<2048x128xi1>, vector<2048x128xf32>
    %jit3A_458 = arith.constant 10 : i32
    %broadcast_in_dim3A_459 = vector.broadcast %jit3A_458 : i32 to vector<2048x128xi32>
    %select_n3A_460 = arith.select %lt3A_456, %broadcast_in_dim3A_459, %select_n3A_454 : vector<2048x128xi1>, vector<2048x128xi32>
    %slice3A_461 = vector.extract_strided_slice %sub3A_397 {offsets = [0, 1408], sizes = [2048, 128], strides = [1, 1]} : vector<2048x2048xf32> to vector<2048x128xf32>
    %lt3A_462 = arith.cmpf olt, %slice3A_461, %select_n3A_457 : vector<2048x128xf32>
    %select_n3A_463 = arith.select %lt3A_462, %slice3A_461, %select_n3A_457 : vector<2048x128xi1>, vector<2048x128xf32>
    %jit3A_464 = arith.constant 11 : i32
    %broadcast_in_dim3A_465 = vector.broadcast %jit3A_464 : i32 to vector<2048x128xi32>
    %select_n3A_466 = arith.select %lt3A_462, %broadcast_in_dim3A_465, %select_n3A_460 : vector<2048x128xi1>, vector<2048x128xi32>
    %slice3A_467 = vector.extract_strided_slice %sub3A_397 {offsets = [0, 1536], sizes = [2048, 128], strides = [1, 1]} : vector<2048x2048xf32> to vector<2048x128xf32>
    %lt3A_468 = arith.cmpf olt, %slice3A_467, %select_n3A_463 : vector<2048x128xf32>
    %select_n3A_469 = arith.select %lt3A_468, %slice3A_467, %select_n3A_463 : vector<2048x128xi1>, vector<2048x128xf32>
    %jit3A_470 = arith.constant 12 : i32
    %broadcast_in_dim3A_471 = vector.broadcast %jit3A_470 : i32 to vector<2048x128xi32>
    %select_n3A_472 = arith.select %lt3A_468, %broadcast_in_dim3A_471, %select_n3A_466 : vector<2048x128xi1>, vector<2048x128xi32>
    %slice3A_473 = vector.extract_strided_slice %sub3A_397 {offsets = [0, 1664], sizes = [2048, 128], strides = [1, 1]} : vector<2048x2048xf32> to vector<2048x128xf32>
    %lt3A_474 = arith.cmpf olt, %slice3A_473, %select_n3A_469 : vector<2048x128xf32>
    %select_n3A_475 = arith.select %lt3A_474, %slice3A_473, %select_n3A_469 : vector<2048x128xi1>, vector<2048x128xf32>
    %jit3A_476 = arith.constant 13 : i32
    %broadcast_in_dim3A_477 = vector.broadcast %jit3A_476 : i32 to vector<2048x128xi32>
    %select_n3A_478 = arith.select %lt3A_474, %broadcast_in_dim3A_477, %select_n3A_472 : vector<2048x128xi1>, vector<2048x128xi32>
    %slice3A_479 = vector.extract_strided_slice %sub3A_397 {offsets = [0, 1792], sizes = [2048, 128], strides = [1, 1]} : vector<2048x2048xf32> to vector<2048x128xf32>
    %lt3A_480 = arith.cmpf olt, %slice3A_479, %select_n3A_475 : vector<2048x128xf32>
    %select_n3A_481 = arith.select %lt3A_480, %slice3A_479, %select_n3A_475 : vector<2048x128xi1>, vector<2048x128xf32>
    %jit3A_482 = arith.constant 14 : i32
    %broadcast_in_dim3A_483 = vector.broadcast %jit3A_482 : i32 to vector<2048x128xi32>
    %select_n3A_484 = arith.select %lt3A_480, %broadcast_in_dim3A_483, %select_n3A_478 : vector<2048x128xi1>, vector<2048x128xi32>
    %slice3A_485 = vector.extract_strided_slice %sub3A_397 {offsets = [0, 1920], sizes = [2048, 128], strides = [1, 1]} : vector<2048x2048xf32> to vector<2048x128xf32>
    %lt3A_486 = arith.cmpf olt, %slice3A_485, %select_n3A_481 : vector<2048x128xf32>
    %select_n3A_487 = arith.select %lt3A_486, %slice3A_485, %select_n3A_481 : vector<2048x128xi1>, vector<2048x128xf32>
    %jit3A_488 = arith.constant 15 : i32
    %broadcast_in_dim3A_489 = vector.broadcast %jit3A_488 : i32 to vector<2048x128xi32>
    %select_n3A_490 = arith.select %lt3A_486, %broadcast_in_dim3A_489, %select_n3A_484 : vector<2048x128xi1>, vector<2048x128xi32>
    %reduce_min3A_491 = arith.constant dense<0x7F800000> : vector<2048xf32>
    %reduce_min3A_492 = vector.multi_reduction <minimumf>, %select_n3A_487, %reduce_min3A_491 [1] : vector<2048x128xf32> to vector<2048xf32>
    %broadcast_in_dim3A_493 = vector.shape_cast %reduce_min3A_492 : vector<2048xf32> to vector<2048x1xf32>
    %mul3A_494 = arith.constant 128 : i32
    %mul3A_495 = vector.broadcast %mul3A_494 : i32 to vector<2048x128xi32>
    %mul3A_496 = arith.muli %select_n3A_490, %mul3A_495 : vector<2048x128xi32>
    %add3A_497 = arith.addi %mul3A_496, %iota3A : vector<2048x128xi32>
    %add3A_498 = arith.constant 6144 : i32
    %add3A_499 = vector.broadcast %add3A_498 : i32 to vector<2048x128xi32>
    %add3A_500 = arith.addi %add3A_497, %add3A_499 : vector<2048x128xi32>
    %eq3A_501 = vector.broadcast %broadcast_in_dim3A_493 : vector<2048x1xf32> to vector<2048x128xf32>
    %eq3A_502 = arith.cmpf oeq, %select_n3A_487, %eq3A_501 : vector<2048x128xf32>
    %jit3A_503 = arith.constant 2147483647 : i32
    %broadcast_in_dim3A_504 = vector.broadcast %jit3A_503 : i32 to vector<2048x128xi32>
    %select_n3A_505 = arith.select %eq3A_502, %add3A_500, %broadcast_in_dim3A_504 : vector<2048x128xi1>, vector<2048x128xi32>
    %reduce_min3A_506 = arith.constant dense<2147483647> : vector<2048xi32>
    %reduce_min3A_507 = vector.multi_reduction <minsi>, %select_n3A_505, %reduce_min3A_506 [1] : vector<2048x128xi32> to vector<2048xi32>
    %broadcast_in_dim3A_508 = vector.shape_cast %reduce_min3A_507 : vector<2048xi32> to vector<2048x1xi32>
    %lt3A_509 = arith.cmpf olt, %broadcast_in_dim3A_493, %convert_element_type3A_382 : vector<2048x1xf32>
    %select_n3A_510 = arith.select %lt3A_509, %broadcast_in_dim3A_508, %select_n3A_379 : vector<2048x1xi1>, vector<2048x1xi32>
    %select_n3A_511 = arith.select %lt3A_509, %broadcast_in_dim3A_493, %select_n3A_380 : vector<2048x1xi1>, vector<2048x1xf32>
    %swap3A = arith.constant 0 : index
    %swap3A_512 = arith.constant 0 : index
    %swap3A_513 = vector.load %arg5[%swap3A, %swap3A_512] : memref<2048x1xi32, #tpu.memory_space<vmem>>, vector<2048x1xi32>
    tpu.vector_store %arg5[%swap3A, %swap3A_512], %select_n3A_510 {strides = array<i32>} : memref<2048x1xi32, #tpu.memory_space<vmem>>, vector<2048x1xi32>,
    %swap3A_514 = arith.constant 0 : index
    %swap3A_515 = arith.constant 0 : index
    %swap3A_516 = vector.load %arg6[%swap3A_514, %swap3A_515] : memref<2048x1xf32, #tpu.memory_space<vmem>>, vector<2048x1xf32>
    tpu.vector_store %arg6[%swap3A_514, %swap3A_515], %select_n3A_511 {strides = array<i32>} : memref<2048x1xf32, #tpu.memory_space<vmem>>, vector<2048x1xf32>,
    return
  }
  func.func @transform_0(%arg0: i32) -> (i32, i32) {
    %c0_i32 = arith.constant 0 : i32
    %c0_i32_0 = arith.constant 0 : i32
    return %arg0, %c0_i32 : i32, i32
  }
  func.func @transform_1(%arg0: i32) -> (i32, i32) {
    %c0_i32 = arith.constant 0 : i32
    %c0_i32_0 = arith.constant 0 : i32
    %c0_i32_1 = arith.constant 0 : i32
    return %c0_i32, %c0_i32_0 : i32, i32
  }
  func.func @transform_2(%arg0: i32) -> (i32, i32) {
    %c0_i32 = arith.constant 0 : i32
    %c0_i32_0 = arith.constant 0 : i32
    return %arg0, %c0_i32 : i32, i32
  }
  func.func @transform_3(%arg0: i32) -> (i32, i32) {
    %c0_i32 = arith.constant 0 : i32
    %c0_i32_0 = arith.constant 0 : i32
    %c0_i32_1 = arith.constant 0 : i32
    return %c0_i32, %c0_i32_0 : i32, i32
  }
  func.func @transform_4(%arg0: i32) -> (i32, i32) {
    %c0_i32 = arith.constant 0 : i32
    %c0_i32_0 = arith.constant 0 : i32
    return %arg0, %c0_i32 : i32, i32
  }
  func.func @transform_5(%arg0: i32) -> (i32, i32) {
    %c0_i32 = arith.constant 0 : i32
    %c0_i32_0 = arith.constant 0 : i32
    return %arg0, %c0_i32 : i32, i32
  }
}

</mosaic_0001>

<sc_bundles>
// kernel: kernel.4.cloned.1.call-start
scs
__scs_entry_jumppad:
0x0: {  	(pc) =	sbr.rel $0x88, $3  }
0x1: {  	(tag) =	ssettag $0x0;
	lr =	simm.s32 $0x1  }
0x2: {  	[smem:$0x3F9F] =	sst lr;
	_ =	strace $0xD0000000  }
0x3: {  	_ = 	snop  }
0x4: {  	_ = 	snop  }
0x5: {  	_ = 	snop  }
0x6: {  	_ = 	snop  }
0x7: {  	_ = 	snop  }
__scs_overlays_trampoline_lowered:
0x8: {  	[smem:$0x3FAE] =	sst s0  }
0x9: {  	[smem:$0x3FAF] =	sst s1  }
0xa: {  	[smem:$0x3FB0] =	sst s2  }
0xb: {  	[smem:$0x3FB1] =	sst s3  }
0xc: {  	[smem:$0x3FB2] =	sst s4  }
0xd: {  	[smem:$0x3FB3] =	sst s5  }
0xe: {  	[smem:$0x3FB4] =	sst s6  }
0xf: {  	[smem:$0x3FB5] =	sst s7  }
0x10: {  	[smem:$0x3FB6] =	sst s8  }
0x11: {  	[smem:$0x3FB7] =	sst s9;
	s0 =	simm.s32 @!p0 $0x0  }
0x12: {  	s1 =	sld [smem:$0x3F9D];
	s0 =	simm.s32 @p0 $0x1  }
0x13: {  	[smem:$0x3FB8] =	sst s0;
	s0 =	simm.s32 @!p1 $0x0  }
0x14: {  	s2 =	sld [smem:$0x3F9C];
	s0 =	simm.s32 @p1 $0x1  }
0x15: {  	[smem:$0x3FB9] =	sst s0;
	s0 =	simm.s32 @!p2 $0x0  }
0x16: {  	s3 =	sld [smem:$0x3FDB];
	s0 =	simm.s32 @p2 $0x1  }
0x17: {  	s4 =	simm.s32 $0x1BF5;
	[smem:$0x3FBB] =	sst s0  }
0x18: {  	s0 =	sld [smem:$0x3F9E];
	_ =	swait.ge [sflag:s4], $0x0  }
0x19: {  	s7 =	sld [smem:$0x3F9F]  }
0x1a: {  	s8 =	sadd.s32 $0xFFFFE003, lr  }
0x1b: {  	s9 =	sadd.s32 $0xFFFFFEF7, lr;
	s5 =	simm.s32 $0xFFFFFFFF;
	p2 =	slt.u32 s8, $0xFFFFF086  }
0x1c: {  	p1 =	slt.u32 s9, $0xF7A;
	s5 =	simm.s32 @!p2 $0x0  }
0x1d: {  	s5 =	simm.s32 @p1 $0x1;
	p0 =	seq.s32 s7, s2  }
0x1e: {  	s7 =	smul.u32 @!p0 $0xF7A, s2;
	p2 =	seq.s32 @!p0 s5, $0x0  }
0x1f: {  	s9 =	smul.u32 $0xF7A, s1;
	s8 =	simm.s32 @!p0 $0x1BF5;
	p2 =	por !p2, p0  }
0x20: {  	[sflag:s8] =	ssyncset.s32 @!p0 $0xFFFFF086;
	s6 =	sadd.s32 @!p0 s3, s7;
	s7 =	simm.s32 @!p0 $0x108  }
0x21: {  	s3 =	sadd.s32 s3, s9;
	s6 =	sadd.s32 @!p0 $0x88, s6;
	s7 =	simm.s32 @p2 $0x1082  }
0x22: {  	[simem:s7], [sflag:s8] =	dma.local @!p0 [hbm:s6], $0xF7A  }
0x23: {  	s9 =	sor.u32 $0xD0000000, s2;
	s6 =	simm.s32 $0x108;
	_ =	swait.ge @!p0 [sflag:s8], $0x0  }
0x24: {  	s3 =	sadd.s32 $0x88, s3;
	s6 =	simm.s32 @!p1 $0x1082;
	[sflag:s4] =	ssyncset.s32 $0xFFFFF086  }
0x25: {  	[simem:s6], [sflag:s4] =	dma.local [hbm:s3], $0xF7A  }
0x26: {  	[smem:$0x3F9F] =	sst s1;
	(tag) =	ssettag s2;
	_ =	strace s9  }
0x27: {  	s1 =	sld [smem:$0x3FAF]  }
0x28: {  	s2 =	sld [smem:$0x3FB0]  }
0x29: {  	s4 =	sld [smem:$0x3FB2]  }
0x2a: {  	p0 =	seq.s32 s5, $0x0;
	s5 =	sld [smem:$0x3FB3]  }
0x2b: {  	s6 =	sld [smem:$0x3FB4]  }
0x2c: {  	s7 =	sld [smem:$0x3FB5]  }
0x2d: {  	s3 =	simm.s32 $0x108;
	s8 =	sld [smem:$0x3FB6]  }
0x2e: {  	s3 =	simm.s32 @!p0 $0x1082;
	s9 =	sld [smem:$0x3FB7]  }
0x2f: {  	lr =	sadd.s32 s0, s3;
	s0 =	sld [smem:$0x3FAE]  }
0x30: {  	s3 =	sld [smem:$0x3FB1]  }
0x31: {  	[smem:$0x3FBA] =	sst s10  }
0x32: {  	s10 =	sld [smem:$0x3FB8];
	_ =	sdelay $0x3  }
0x33: {  	p0 =	seq.s32 s10, $0x1;
	s10 =	sld [smem:$0x3FBA];
	_ =	sdelay $0x3  }
0x34: {  	[smem:$0x3FBA] =	sst s10  }
0x35: {  	s10 =	sld [smem:$0x3FB9];
	_ =	sdelay $0x3  }
0x36: {  	p1 =	seq.s32 s10, $0x1;
	s10 =	sld [smem:$0x3FBA];
	_ =	sdelay $0x3  }
0x37: {  	[smem:$0x3FBA] =	sst s10  }
0x38: {  	s10 =	sld [smem:$0x3FBB]  }
0x39: {  	_ = 	snop;
	(pc) =	sbr.ind lr, $3  }
0x3a: {  	_ = 	snop  }
0x3b: {  	_ = 	snop  }
0x3c: {  	p2 =	seq.s32 s10, $0x1;
	s10 =	sld [smem:$0x3FBA]  }
0x3d: {  	_ =	shalt  }
0x3e: {  	_ =	shalt  }
0x3f: {  	_ =	shalt  }
0x40: {  	_ =	shalt  }
0x41: {  	_ =	shalt  }
0x42: {  	_ =	shalt  }
0x43: {  	_ =	shalt  }
0x44: {  	_ =	shalt  }
0x45: {  	_ =	shalt  }
0x46: {  	_ =	shalt  }
0x47: {  	_ =	shalt  }
0x48: {  	_ =	shalt  }
0x49: {  	_ =	shalt  }
0x4a: {  	_ =	shalt  }
0x4b: {  	_ =	shalt  }
0x4c: {  	_ =	shalt  }
0x4d: {  	_ =	shalt  }
0x4e: {  	_ =	shalt  }
0x4f: {  	_ =	shalt  }
0x50: {  	_ =	shalt  }
0x51: {  	_ =	shalt  }
0x52: {  	_ =	shalt  }
0x53: {  	_ =	shalt  }
0x54: {  	_ =	shalt  }
0x55: {  	_ =	shalt  }
0x56: {  	_ =	shalt  }
0x57: {  	_ =	shalt  }
0x58: {  	_ =	shalt  }
0x59: {  	_ =	shalt  }
0x5a: {  	_ =	shalt  }
0x5b: {  	_ =	shalt  }
0x5c: {  	_ =	shalt  }
0x5d: {  	_ =	shalt  }
0x5e: {  	_ =	shalt  }
0x5f: {  	_ =	shalt  }
0x60: {  	_ =	shalt  }
0x61: {  	_ =	shalt  }
0x62: {  	_ =	shalt  }
0x63: {  	_ =	shalt  }
0x64: {  	_ =	shalt  }
0x65: {  	_ =	shalt  }
0x66: {  	_ =	shalt  }
0x67: {  	_ =	shalt  }
0x68: {  	_ =	shalt  }
0x69: {  	_ =	shalt  }
0x6a: {  	_ =	shalt  }
0x6b: {  	_ =	shalt  }
0x6c: {  	_ =	shalt  }
0x6d: {  	_ =	shalt  }
0x6e: {  	_ =	shalt  }
0x6f: {  	_ =	shalt  }
0x70: {  	_ =	shalt  }
0x71: {  	_ =	shalt  }
0x72: {  	_ =	shalt  }
0x73: {  	_ =	shalt  }
0x74: {  	_ =	shalt  }
0x75: {  	_ =	shalt  }
0x76: {  	_ =	shalt  }
0x77: {  	_ =	shalt  }
0x78: {  	_ =	shalt  }
0x79: {  	_ =	shalt  }
0x7a: {  	_ =	shalt  }
0x7b: {  	_ =	shalt  }
0x7c: {  	_ =	shalt  }
0x7d: {  	_ =	shalt  }
0x7e: {  	_ =	shalt  }
0x7f: {  	_ =	shalt  }
0x80: {  	_ =	shalt  }
0x81: {  	_ =	shalt  }
0x82: {  	_ =	shalt  }
0x83: {  	_ =	shalt  }
0x84: {  	_ =	shalt  }
0x85: {  	_ =	shalt  }
0x86: {  	_ =	shalt  }
0x87: {  	_ =	shalt  }
.Lfunc_end0:
.L_simem_size_0:
called_computation_lowered:
.L_overlay_start_0:
0x88: {  	s2 =	sld [smem:$0x3FD9]  }
0x89: {  	s3 =	sld [smem:$0x3FFE];
	_ =	sdelay $0x1  }
0x8a: {  	s1 =	srdreg.scid  }
0x8b: {  	s0 =	sand.u32 $0x1, s1  }
0x8c: {  	s14 =	sshll.u32 s0, $0xA;
	s2 =	sadd.s32 s3, s2  }
0x8d: {  	s2 =	sadd.s32 s2, s14  }
0x8e: {  	[smem:$0x3FC6] =	sst s2  }
0x8f: {  	_ = 	snop  }
0x90: {  	s2 =	sld [smem:$0x3FD0];
	_ =	sdelay $0x2  }
0x91: {  	s4 =	simm.s32 $0xA;
	s5 =	simm.s32 $0x10;
	s15 =	sld [smem:$0x3FC8]  }
0x92: {  	[smem:s5], [sflag:s4] =	dma.local [hbm:s2], $0x1  }
0x93: {  	_ =	swait.eq [sflag:s4], $0x1  }
0x94: {  	[sflag:s4] =	ssyncset.done $0x0  }
0x95: {  	[sflag:s4] =	ssyncadd.s32 $0xFFFFFFFF  }
0x96: {  	s16 =	sld [smem:$0x10];
	(tm) =	ssettm $0x1  }
0x97: {  	s17 =	sld [smem:$0x3FFB];
	_ =	sdelay $0x3  }
0x98: {  	_ =	strace s17  }
0x99: {  	s4 =	sld [smem:$0x3FFC];
	_ =	sdelay $0x3  }
0x9a: {  	_ =	strace s4  }
0x9b: {  	s4 =	sld [smem:$0x3FFD];
	_ =	sdelay $0x3  }
0x9c: {  	_ =	strace s4  }
0x9d: {  	_ =	strace $0x8FFFFFFF  }
0x9e: {  	s18 =	sld [smem:$0x3FDB];
	_ =	sdelay $0x1  }
0x9f: {  	s19 =	simm.s32 $_scs_section_size  }
0xa0: {  	s6 =	simm.s32 $_size__tile_overlayer_lowered;
	s7 =	simm.s32 $_tile_overlayer_lowered  }
0xa1: {  	s22 =	simm.s32 $0x1BFF;
	s21 =	sshll.u32 s7, $0x1;
	s4 =	sadd.s32 s19, s18  }
0xa2: {  	s8 =	simm.s32 $0x0;
	s20 =	sshll.u32 s6, $0x1;
	s6 =	sadd.s32 s21, s4  }
0xa3: {  	[timem:s8], [sflag:s22] =	dma.local [hbm:s6], s20  }
0xa4: {  	_ =	swait.ge [sflag:s22], s20  }
0xa5: {  	s5 =	ssub.s32 $0x0, s20;
	[sflag:s22] =	ssyncset.done $0x0  }
0xa6: {  	[sflag:s22] =	ssyncadd.s32 s5;
	_ =	sdelay $0x1  }
0xa7: {  	s23 =	simm.s32 $0x1B8B  }
0xa8: {  	_ =	swait.ge [sflag:s23], $0x1  }
0xa9: {  	[sflag:s23] =	ssyncset.done $0x0  }
0xaa: {  	s25 =	simm.s32 $0x1B8E;
	s24 =	sld [smem:$0x3FFE];
	[sflag:s23] =	ssyncadd.s32 $0xFFFFFFFF  }
0xab: {  	s26 =	simm.s32 $execute0_lowered;
	[smem:$0x3FD2] =	sst s25  }
0xac: {  	s6 =	sshll.u32 s26, $0x1;
	_ =	strace $0x80000046;
	[dreg:$0x1] =	wrdreg $0xFFFFFFFF  }
0xad: {  	s28 =	simm.s32 $_size_execute0_lowered;
	s4 =	sadd.s32 s4, s6;
	[dreg:$0x0] =	wrdreg $0x0  }
0xae: {  	s6 =	sshll.u32 s28, $0x1;
	[dreg:$0x2] =	wrdreg s4  }
0xaf: {  	[dreg:$0x3] =	wrdreg s6  }
0xb0: {  	[dreg:$0x4] =	wrdreg $0xC0  }
0xb1: {  	_ =	task [dreg:s8], $0x5FFFF  }
0xb2: {  	[dreg:$0x1] =	wrdreg $0xFFFFFFFF  }
0xb3: {  	[dreg:$0x0] =	wrdreg $0x60  }
0xb4: {  	[dreg:$0x2] =	wrdreg s15  }
0xb5: {  	[dreg:$0x3] =	wrdreg s24  }
0xb6: {  	[dreg:$0x4] =	wrdreg s16  }
0xb7: {  	[dreg:$0x5] =	wrdreg $0x9  }
0xb8: {  	_ =	task.clear_ibuf [dreg:s8], $0x6FFFF;
	_ =	strace $0x90000046  }
0xb9: {  	s29 =	simm.s32 $0x9;
	_ =	strace $0x80000048  }
0xba: {  	_ =	swait.ge [sflag:s29], $0x1  }
0xbb: {  	[sflag:s29] =	ssyncadd.s32 $0xFFFFFFFF  }
0xbc: {  	_ =	strace $0x90000048  }
0xbd: {  	_ =	sfence  }
0xbe: {  	s30 =	sld [smem:$0x0];
	_ =	sdelay $0x2  }
0xbf: {  	s31 =	sshll.u32 s1, $0xD;
	s1 =	sshrl.u32 s1, $0x2  }
0xc0: {  	s3 =	sand.u32 $0x4000, s31;
	s1 =	sadd.s32 s1, s30  }
0xc1: {  	s0 =	sor.u32 s3, s0;
	s1 =	sshll.u32 s1, $0x11  }
0xc2: {  	s0 =	sor.u32 s1, s0  }
0xc3: {  	s0 =	sadd.s32 $0x8F2B, s0  }
0xc4: {  	[sflag:s0] =	ssyncadd.remote.s32 $0x1  }
0xc5: {  	_ =	sfence.sel $0xFFFF  }
0xc6: {  	[dreg:$0x0] =	wrdreg $0xFFFFFFFF;
	(pc) =	sbr.abs _section_cstart, $3  }
0xc7: {  	[dreg:$0x1] =	wrdreg $0xFFFFFFFF  }
0xc8: {  	_ =	task.clear_ibuf [dreg:s8], $0x2FFFF;
	_ =	strace $0x9FFFFFFF  }
0xc9: {  	(tm) =	ssettm $0x7FFFFFFF  }
tec
execute0_lowered:
.L_overlay_start_1:
0x0: {  	(tag) =	ssettag $0x1  }
0x1: {  	s1 =	rddreg [dreg:$0x0]  }
0x2: {  	s2 =	srdreg.scid;
	s4 =	rddreg [dreg:$0x1]  }
0x3: {  	s0 =	stileid.u32;
	s5 =	rddreg [dreg:$0x2]  }
0x4: {  	s3 =	simm.s32 $0x0;
	s19 =	simm.s32 $0x900;
	s20 =	simm.s32 $0x1100  }
0x5: {  	s21 =	simm.s32 $0x1900;
	s23 =	simm.s32 $0x2100;
	s24 =	simm.s32 $0x2900  }
0x6: {  	s25 =	simm.s32 $0x3100;
	s26 =	simm.s32 $0x3900;
	s8 =	simm.s32 $0x4900  }
0x7: {  	s9 =	simm.s32 $0x5100;
	s10 =	simm.s32 $0x5900;
	s11 =	simm.s32 $0x6100  }
0x8: {  	s12 =	simm.s32 $0x6900;
	s13 =	simm.s32 $0x7100;
	[smem:$0x7FF] =	sst s3  }
0x9: {  	s14 =	simm.s32 $0x7900;
	_ =	strace $0x80000047;
	[dreg:$0x6] =	wrdreg s19  }
0xa: {  	s15 =	simm.s32 $0x8100;
	s16 =	simm.s32 $0x8900;
	[dreg:$0x7] =	wrdreg s20  }
0xb: {  	s17 =	simm.s32 $0x9100;
	s28 =	simm.s32 $0xE100;
	[dreg:$0x8] =	wrdreg s21  }
0xc: {  	s29 =	simm.s32 $0xE900;
	s30 =	simm.s32 $0xF100;
	[dreg:$0x9] =	wrdreg s23  }
0xd: {  	s31 =	simm.s32 $0xF900;
	s2 =	sand.u32 $0x1, s2;
	[dreg:$0xa] =	wrdreg s24  }
0xe: {  	s6 =	sshll.u32 s0, $0x9;
	s7 =	sshll.u32 s2, $0x8;
	[dreg:$0xb] =	wrdreg s25  }
0xf: {  	s2 =	ssub.s32 $0x2, s2;
	[dreg:$0xc] =	wrdreg s26;
	s19 =	simm.s32 $0xA100  }
0x10: {  	s20 =	simm.s32 $0xA900;
	s21 =	simm.s32 $0xB100;
	s23 =	simm.s32 $0xC100  }
0x11: {  	s24 =	simm.s32 $0xC900;
	s25 =	simm.s32 $0xD100;
	s6 =	sor.u32 s7, s6  }
0x12: {  	s26 =	simm.s32 $0xD900;
	s22 =	sshrl.u32 s2, $0x1;
	s7 =	sshrl.u32 s6, $0x3  }
0x13: {  	s6 =	sshll.u32 s6, $0x5;
	s2 =	ssub.s32 s2, s22;
	s4 =	sadd.s32 s4, s7  }
0x14: {  	v2 =	vlaneseq.u32;
	s22 =	simm.s32 $0xB900;
	s18 =	sadd.s32 s5, s6;
	[dreg:$0x4] =	wrdreg s4  }
0x15: {  	vm0 =	vmmov $0xffff;
	v1 =	vshrl.u32 v2, $0x3;
	s5 =	simm.s32 $0x2;
	s6 =	simm.s32 $0x100;
	[dreg:$0x5] =	wrdreg s18  }
0x16: {  	v0 =	vand.u32 $0x7, v2;
	v2 =	vor.u32 $0x8, v2;
	v1 =	vmul.u32 $0x8, v1;
	s4 =	smax.u32 s2, $0x1;
	s18 =	simm.s32 $0x9900;
	s2 =	simm.s32 $0x1  }
.LBB2_1:
0x17: {  	s0 =	rddreg [dreg:$0x4]  }
0x18: {  	[tilespmem:s3], [sflag:$0x2] =	stream.linear.gather [hbm4b:s0+s3], $0x100, $0x38;
	[tilespmem:$0x10100] =	vst v63  }
0x19: {  	_ =	swait.ge [sflag:s5], $0x100  }
0x1a: {  	[sflag:s5] =	ssyncset.done $0x0  }
0x1b: {  	[sflag:s5] =	ssyncadd.s32 $0xFFFFFF00  }
0x1c: {  	v3 =	vld [tilespmem:$0x0];
	_ =	sdelay $0x4  }
0x1d: {  	v4 =	vshll.u32 v3, $0x1  }
0x1e: {  	v3 =	vand.u32 $0x7, v3;
	v4 =	vand.u32 $0xFFFFFFF0, v4  }
0x1f: {  	v3 =	vor.u32 v3, v4  }
0x20: {  	v4 =	vperm.xlane v3, v0;
	_ =	sdelay $0x1  }
0x21: {  	v3 =	vperm.xlane v3, v2;
	v4 =	vadd.s32 v1, v4;
	_ =	sdelay $0x1  }
0x22: {  	v3 =	vadd.s32 v1, v3;
	_ =	sdelay $0x2  }
0x23: {  	[tilespmem:s6], [sflag:$0x1] =	stream.indirect_vreg.gather [hbm4b:s1+s3], $0x80, v4, vm0, $0xb8;
	[tilespmem:$0x10100] =	vst v63  }
0x24: {  	s7 =	rddreg [dreg:$0x6]  }
0x25: {  	[tilespmem:s7], [sflag:$0x1] =	stream.indirect_vreg.gather [hbm4b:s1+s3], $0x80, v3, vm0, $0xb8;
	[tilespmem:$0x10100] =	vst v63  }
0x26: {  	v3 =	vld [tilespmem:$0x10];
	_ =	sdelay $0x4  }
0x27: {  	v49 =	vshll.u32 v3, $0x1  }
0x28: {  	v3 =	vand.u32 $0x7, v3;
	v4 =	vand.u32 $0xFFFFFFF0, v49  }
0x29: {  	v3 =	vor.u32 v3, v4  }
0x2a: {  	v4 =	vperm.xlane v3, v0;
	_ =	sdelay $0x1  }
0x2b: {  	v3 =	vperm.xlane v3, v2;
	v4 =	vadd.s32 v1, v4;
	_ =	sdelay $0x1  }
0x2c: {  	v3 =	vadd.s32 v1, v3;
	_ =	sdelay $0x1  }
0x2d: {  	s0 =	rddreg [dreg:$0x7]  }
0x2e: {  	[tilespmem:s0], [sflag:$0x1] =	stream.indirect_vreg.gather [hbm4b:s1+s3], $0x80, v4, vm0, $0xb8;
	[tilespmem:$0x10100] =	vst v63  }
0x2f: {  	s7 =	rddreg [dreg:$0x8]  }
0x30: {  	[tilespmem:s7], [sflag:$0x1] =	stream.indirect_vreg.gather [hbm4b:s1+s3], $0x80, v3, vm0, $0xb8;
	[tilespmem:$0x10100] =	vst v63  }
0x31: {  	v3 =	vld [tilespmem:$0x20];
	_ =	sdelay $0x4  }
0x32: {  	v50 =	vshll.u32 v3, $0x1  }
0x33: {  	v3 =	vand.u32 $0x7, v3;
	v4 =	vand.u32 $0xFFFFFFF0, v50  }
0x34: {  	v3 =	vor.u32 v3, v4  }
0x35: {  	v4 =	vperm.xlane v3, v0;
	_ =	sdelay $0x1  }
0x36: {  	v3 =	vperm.xlane v3, v2;
	v4 =	vadd.s32 v1, v4;
	_ =	sdelay $0x1  }
0x37: {  	v3 =	vadd.s32 v1, v3;
	_ =	sdelay $0x1  }
0x38: {  	s0 =	rddreg [dreg:$0x9]  }
0x39: {  	[tilespmem:s0], [sflag:$0x1] =	stream.indirect_vreg.gather [hbm4b:s1+s3], $0x80, v4, vm0, $0xb8;
	[tilespmem:$0x10100] =	vst v63  }
0x3a: {  	s7 =	rddreg [dreg:$0xa]  }
0x3b: {  	[tilespmem:s7], [sflag:$0x1] =	stream.indirect_vreg.gather [hbm4b:s1+s3], $0x80, v3, vm0, $0xb8;
	[tilespmem:$0x10100] =	vst v63  }
0x3c: {  	v3 =	vld [tilespmem:$0x30];
	_ =	sdelay $0x4  }
0x3d: {  	v51 =	vshll.u32 v3, $0x1  }
0x3e: {  	v3 =	vand.u32 $0x7, v3;
	v4 =	vand.u32 $0xFFFFFFF0, v51  }
0x3f: {  	v3 =	vor.u32 v3, v4  }
0x40: {  	v4 =	vperm.xlane v3, v0;
	_ =	sdelay $0x1  }
0x41: {  	v3 =	vperm.xlane v3, v2;
	v4 =	vadd.s32 v1, v4;
	_ =	sdelay $0x1  }
0x42: {  	v3 =	vadd.s32 v1, v3;
	_ =	sdelay $0x1  }
0x43: {  	s0 =	rddreg [dreg:$0xb]  }
0x44: {  	[tilespmem:s0], [sflag:$0x1] =	stream.indirect_vreg.gather [hbm4b:s1+s3], $0x80, v4, vm0, $0xb8;
	[tilespmem:$0x10100] =	vst v63  }
0x45: {  	s7 =	rddreg [dreg:$0xc]  }
0x46: {  	[tilespmem:s7], [sflag:$0x1] =	stream.indirect_vreg.gather [hbm4b:s1+s3], $0x80, v3, vm0, $0xb8;
	[tilespmem:$0x10100] =	vst v63  }
0x47: {  	v3 =	vld [tilespmem:$0x40];
	_ =	sdelay $0x4  }
0x48: {  	v52 =	vshll.u32 v3, $0x1  }
0x49: {  	v3 =	vand.u32 $0x7, v3;
	v4 =	vand.u32 $0xFFFFFFF0, v52  }
0x4a: {  	v3 =	vor.u32 v3, v4  }
0x4b: {  	v4 =	vperm.xlane v3, v0;
	_ =	sdelay $0x1  }
0x4c: {  	v3 =	vperm.xlane v3, v2;
	v4 =	vadd.s32 v1, v4;
	_ =	sdelay $0x1  }
0x4d: {  	v3 =	vadd.s32 v1, v3;
	_ =	sdelay $0x1  }
0x4e: {  	s7 =	simm.s32 $0x4100  }
0x4f: {  	[tilespmem:s7], [sflag:$0x1] =	stream.indirect_vreg.gather [hbm4b:s1+s3], $0x80, v4, vm0, $0xb8;
	[tilespmem:$0x10100] =	vst v63  }
0x50: {  	_ = 	snop  }
0x51: {  	[tilespmem:s8], [sflag:$0x1] =	stream.indirect_vreg.gather [hbm4b:s1+s3], $0x80, v3, vm0, $0xb8;
	[tilespmem:$0x10100] =	vst v63  }
0x52: {  	v3 =	vld [tilespmem:$0x50];
	_ =	sdelay $0x4  }
0x53: {  	v53 =	vshll.u32 v3, $0x1  }
0x54: {  	v3 =	vand.u32 $0x7, v3;
	v4 =	vand.u32 $0xFFFFFFF0, v53  }
0x55: {  	v3 =	vor.u32 v3, v4  }
0x56: {  	v4 =	vperm.xlane v3, v0;
	_ =	sdelay $0x1  }
0x57: {  	v3 =	vperm.xlane v3, v2;
	v4 =	vadd.s32 v1, v4;
	_ =	sdelay $0x1  }
0x58: {  	v3 =	vadd.s32 v1, v3;
	_ =	sdelay $0x2  }
0x59: {  	[tilespmem:s9], [sflag:$0x1] =	stream.indirect_vreg.gather [hbm4b:s1+s3], $0x80, v4, vm0, $0xb8;
	[tilespmem:$0x10100] =	vst v63  }
0x5a: {  	_ = 	snop  }
0x5b: {  	[tilespmem:s10], [sflag:$0x1] =	stream.indirect_vreg.gather [hbm4b:s1+s3], $0x80, v3, vm0, $0xb8;
	[tilespmem:$0x10100] =	vst v63  }
0x5c: {  	v3 =	vld [tilespmem:$0x60];
	_ =	sdelay $0x4  }
0x5d: {  	v54 =	vshll.u32 v3, $0x1  }
0x5e: {  	v3 =	vand.u32 $0x7, v3;
	v4 =	vand.u32 $0xFFFFFFF0, v54  }
0x5f: {  	v3 =	vor.u32 v3, v4  }
0x60: {  	v4 =	vperm.xlane v3, v0;
	_ =	sdelay $0x1  }
0x61: {  	v3 =	vperm.xlane v3, v2;
	v4 =	vadd.s32 v1, v4;
	_ =	sdelay $0x1  }
0x62: {  	v3 =	vadd.s32 v1, v3;
	_ =	sdelay $0x2  }
0x63: {  	[tilespmem:s11], [sflag:$0x1] =	stream.indirect_vreg.gather [hbm4b:s1+s3], $0x80, v4, vm0, $0xb8;
	[tilespmem:$0x10100] =	vst v63  }
0x64: {  	_ = 	snop  }
0x65: {  	[tilespmem:s12], [sflag:$0x1] =	stream.indirect_vreg.gather [hbm4b:s1+s3], $0x80, v3, vm0, $0xb8;
	[tilespmem:$0x10100] =	vst v63  }
0x66: {  	v3 =	vld [tilespmem:$0x70];
	_ =	sdelay $0x4  }
0x67: {  	v55 =	vshll.u32 v3, $0x1  }
0x68: {  	v3 =	vand.u32 $0x7, v3;
	v4 =	vand.u32 $0xFFFFFFF0, v55  }
0x69: {  	v3 =	vor.u32 v3, v4  }
0x6a: {  	v4 =	vperm.xlane v3, v0;
	_ =	sdelay $0x1  }
0x6b: {  	v3 =	vperm.xlane v3, v2;
	v4 =	vadd.s32 v1, v4;
	_ =	sdelay $0x1  }
0x6c: {  	v3 =	vadd.s32 v1, v3;
	_ =	sdelay $0x2  }
0x6d: {  	[tilespmem:s13], [sflag:$0x1] =	stream.indirect_vreg.gather [hbm4b:s1+s3], $0x80, v4, vm0, $0xb8;
	[tilespmem:$0x10100] =	vst v63  }
0x6e: {  	_ = 	snop  }
0x6f: {  	[tilespmem:s14], [sflag:$0x1] =	stream.indirect_vreg.gather [hbm4b:s1+s3], $0x80, v3, vm0, $0xb8;
	[tilespmem:$0x10100] =	vst v63  }
0x70: {  	v3 =	vld [tilespmem:$0x80];
	_ =	sdelay $0x4  }
0x71: {  	v56 =	vshll.u32 v3, $0x1  }
0x72: {  	v3 =	vand.u32 $0x7, v3;
	v4 =	vand.u32 $0xFFFFFFF0, v56  }
0x73: {  	v3 =	vor.u32 v3, v4  }
0x74: {  	v4 =	vperm.xlane v3, v0;
	_ =	sdelay $0x1  }
0x75: {  	v3 =	vperm.xlane v3, v2;
	v4 =	vadd.s32 v1, v4;
	_ =	sdelay $0x1  }
0x76: {  	v3 =	vadd.s32 v1, v3;
	_ =	sdelay $0x2  }
0x77: {  	[tilespmem:s15], [sflag:$0x1] =	stream.indirect_vreg.gather [hbm4b:s1+s3], $0x80, v4, vm0, $0xb8;
	[tilespmem:$0x10100] =	vst v63  }
0x78: {  	_ = 	snop  }
0x79: {  	[tilespmem:s16], [sflag:$0x1] =	stream.indirect_vreg.gather [hbm4b:s1+s3], $0x80, v3, vm0, $0xb8;
	[tilespmem:$0x10100] =	vst v63  }
0x7a: {  	v3 =	vld [tilespmem:$0x90];
	_ =	sdelay $0x4  }
0x7b: {  	v57 =	vshll.u32 v3, $0x1  }
0x7c: {  	v3 =	vand.u32 $0x7, v3;
	v4 =	vand.u32 $0xFFFFFFF0, v57  }
0x7d: {  	v3 =	vor.u32 v3, v4  }
0x7e: {  	v4 =	vperm.xlane v3, v0;
	_ =	sdelay $0x1  }
0x7f: {  	v3 =	vperm.xlane v3, v2;
	v4 =	vadd.s32 v1, v4;
	_ =	sdelay $0x1  }
0x80: {  	v3 =	vadd.s32 v1, v3;
	_ =	sdelay $0x2  }
0x81: {  	[tilespmem:s17], [sflag:$0x1] =	stream.indirect_vreg.gather [hbm4b:s1+s3], $0x80, v4, vm0, $0xb8;
	[tilespmem:$0x10100] =	vst v63  }
0x82: {  	_ = 	snop  }
0x83: {  	[tilespmem:s18], [sflag:$0x1] =	stream.indirect_vreg.gather [hbm4b:s1+s3], $0x80, v3, vm0, $0xb8;
	[tilespmem:$0x10100] =	vst v63  }
0x84: {  	v3 =	vld [tilespmem:$0xA0];
	_ =	sdelay $0x4  }
0x85: {  	v58 =	vshll.u32 v3, $0x1  }
0x86: {  	v3 =	vand.u32 $0x7, v3;
	v4 =	vand.u32 $0xFFFFFFF0, v58  }
0x87: {  	v3 =	vor.u32 v3, v4  }
0x88: {  	v4 =	vperm.xlane v3, v0;
	_ =	sdelay $0x1  }
0x89: {  	v3 =	vperm.xlane v3, v2;
	v4 =	vadd.s32 v1, v4;
	_ =	sdelay $0x1  }
0x8a: {  	v3 =	vadd.s32 v1, v3;
	_ =	sdelay $0x2  }
0x8b: {  	[tilespmem:s19], [sflag:$0x1] =	stream.indirect_vreg.gather [hbm4b:s1+s3], $0x80, v4, vm0, $0xb8;
	[tilespmem:$0x10100] =	vst v63  }
0x8c: {  	_ = 	snop  }
0x8d: {  	[tilespmem:s20], [sflag:$0x1] =	stream.indirect_vreg.gather [hbm4b:s1+s3], $0x80, v3, vm0, $0xb8;
	[tilespmem:$0x10100] =	vst v63  }
0x8e: {  	v3 =	vld [tilespmem:$0xB0];
	_ =	sdelay $0x4  }
0x8f: {  	v59 =	vshll.u32 v3, $0x1  }
0x90: {  	v3 =	vand.u32 $0x7, v3;
	v4 =	vand.u32 $0xFFFFFFF0, v59  }
0x91: {  	v3 =	vor.u32 v3, v4  }
0x92: {  	v4 =	vperm.xlane v3, v0;
	_ =	sdelay $0x1  }
0x93: {  	v3 =	vperm.xlane v3, v2;
	v4 =	vadd.s32 v1, v4;
	_ =	sdelay $0x1  }
0x94: {  	v3 =	vadd.s32 v1, v3;
	_ =	sdelay $0x2  }
0x95: {  	[tilespmem:s21], [sflag:$0x1] =	stream.indirect_vreg.gather [hbm4b:s1+s3], $0x80, v4, vm0, $0xb8;
	[tilespmem:$0x10100] =	vst v63  }
0x96: {  	_ = 	snop  }
0x97: {  	[tilespmem:s22], [sflag:$0x1] =	stream.indirect_vreg.gather [hbm4b:s1+s3], $0x80, v3, vm0, $0xb8;
	[tilespmem:$0x10100] =	vst v63  }
0x98: {  	v3 =	vld [tilespmem:$0xC0];
	_ =	sdelay $0x4  }
0x99: {  	v60 =	vshll.u32 v3, $0x1  }
0x9a: {  	v3 =	vand.u32 $0x7, v3;
	v4 =	vand.u32 $0xFFFFFFF0, v60  }
0x9b: {  	v3 =	vor.u32 v3, v4  }
0x9c: {  	v4 =	vperm.xlane v3, v0;
	_ =	sdelay $0x1  }
0x9d: {  	v3 =	vperm.xlane v3, v2;
	v4 =	vadd.s32 v1, v4;
	_ =	sdelay $0x1  }
0x9e: {  	v3 =	vadd.s32 v1, v3;
	_ =	sdelay $0x2  }
0x9f: {  	[tilespmem:s23], [sflag:$0x1] =	stream.indirect_vreg.gather [hbm4b:s1+s3], $0x80, v4, vm0, $0xb8;
	[tilespmem:$0x10100] =	vst v63  }
0xa0: {  	_ = 	snop  }
0xa1: {  	[tilespmem:s24], [sflag:$0x1] =	stream.indirect_vreg.gather [hbm4b:s1+s3], $0x80, v3, vm0, $0xb8;
	[tilespmem:$0x10100] =	vst v63  }
0xa2: {  	v3 =	vld [tilespmem:$0xD0];
	_ =	sdelay $0x4  }
0xa3: {  	v61 =	vshll.u32 v3, $0x1  }
0xa4: {  	v3 =	vand.u32 $0x7, v3;
	v4 =	vand.u32 $0xFFFFFFF0, v61  }
0xa5: {  	v3 =	vor.u32 v3, v4  }
0xa6: {  	v4 =	vperm.xlane v3, v0;
	_ =	sdelay $0x1  }
0xa7: {  	v3 =	vperm.xlane v3, v2;
	v4 =	vadd.s32 v1, v4;
	_ =	sdelay $0x1  }
0xa8: {  	v3 =	vadd.s32 v1, v3;
	_ =	sdelay $0x2  }
0xa9: {  	[tilespmem:s25], [sflag:$0x1] =	stream.indirect_vreg.gather [hbm4b:s1+s3], $0x80, v4, vm0, $0xb8;
	[tilespmem:$0x10100] =	vst v63  }
0xaa: {  	_ = 	snop  }
0xab: {  	[tilespmem:s26], [sflag:$0x1] =	stream.indirect_vreg.gather [hbm4b:s1+s3], $0x80, v3, vm0, $0xb8;
	[tilespmem:$0x10100] =	vst v63  }
0xac: {  	v3 =	vld [tilespmem:$0xE0];
	_ =	sdelay $0x4  }
0xad: {  	v62 =	vshll.u32 v3, $0x1  }
0xae: {  	v3 =	vand.u32 $0x7, v3;
	v4 =	vand.u32 $0xFFFFFFF0, v62  }
0xaf: {  	v3 =	vor.u32 v3, v4  }
0xb0: {  	v4 =	vperm.xlane v3, v0;
	_ =	sdelay $0x1  }
0xb1: {  	v3 =	vperm.xlane v3, v2;
	v4 =	vadd.s32 v1, v4;
	_ =	sdelay $0x1  }
0xb2: {  	v3 =	vadd.s32 v1, v3;
	_ =	sdelay $0x2  }
0xb3: {  	[tilespmem:s28], [sflag:$0x1] =	stream.indirect_vreg.gather [hbm4b:s1+s3], $0x80, v4, vm0, $0xb8;
	[tilespmem:$0x10100] =	vst v63  }
0xb4: {  	_ = 	snop  }
0xb5: {  	[tilespmem:s29], [sflag:$0x1] =	stream.indirect_vreg.gather [hbm4b:s1+s3], $0x80, v3, vm0, $0xb8;
	[tilespmem:$0x10100] =	vst v63  }
0xb6: {  	v3 =	vld [tilespmem:$0xF0];
	_ =	sdelay $0x4  }
0xb7: {  	v63 =	vshll.u32 v3, $0x1  }
0xb8: {  	v3 =	vand.u32 $0x7, v3;
	v4 =	vand.u32 $0xFFFFFFF0, v63  }
0xb9: {  	v3 =	vor.u32 v3, v4  }
0xba: {  	v4 =	vperm.xlane v3, v0;
	_ =	sdelay $0x1  }
0xbb: {  	v3 =	vperm.xlane v3, v2;
	v4 =	vadd.s32 v1, v4;
	_ =	sdelay $0x1  }
0xbc: {  	v3 =	vadd.s32 v1, v3;
	_ =	sdelay $0x2  }
0xbd: {  	[tilespmem:s30], [sflag:$0x1] =	stream.indirect_vreg.gather [hbm4b:s1+s3], $0x80, v4, vm0, $0xb8;
	[tilespmem:$0x10100] =	vst v63  }
0xbe: {  	_ = 	snop  }
0xbf: {  	[tilespmem:s31], [sflag:$0x1] =	stream.indirect_vreg.gather [hbm4b:s1+s3], $0x80, v3, vm0, $0xb8;
	[tilespmem:$0x10100] =	vst v63  }
0xc0: {  	_ =	swait.ge [sflag:s2], $0x10000  }
0xc1: {  	p0 =	sne.s32 s4, $0x1;
	[sflag:s2] =	ssyncset.done $0x0  }
.Ltmp0:
0xc2: {  	s7 =	rddreg [dreg:$0x5];
	[sflag:s2] =	ssyncadd.s32 $0xFFFF0000;
	(pc) =	sbr.rel @p0 .LBB2_1-.Ltmp0, $4  }
0xc3: {  	[hbm4b:s7+s3] =	stream.linear.scatter [tilespmem:s6], [sflag:$0x2], $0x10000, $0x38;
	[tilespmem:$0x10100] =	vst v63  }
0xc4: {  	_ =	swait.ge [sflag:s5], $0x10000  }
0xc5: {  	[sflag:s5] =	ssyncset.done $0x0  }
0xc6: {  	s4 =	sadd.s32 $0xFFFFFFFF, s4;
	[sflag:s5] =	ssyncadd.s32 $0xFFFF0000  }
0xc7: {  	_ =	sfence.sel $0x180000  }
0xc8: {  	[bflag:$0x0] =	sbarrier.arrive $0xFFFF  }
0xc9: {  	_ =	strace $0x90000047  }
0xca: {  	s0 =	stileid.u32;
	[bflag:$0x2] =	sbarrier.arrive $0xFFFF  }
0xcb: {  	p0 =	sne.s32 s0, $0x0;
	s0 =	rddreg [dreg:$0x3]  }
0xcc: {  	s0 =	sadd.s32 @!p0 $0x100000, s0  }
0xcd: {  	[sflag:s0] =	ssyncadd.tile.s32 @!p0 $0x1;
	_ =	shalt  }
.Lfunc_end2:
_tile_overlayer_lowered:
.L_overlay_start_2:
0xce: {  	(tag) =	ssettag $0x2  }
0xcf: {  	s0 =	rddreg [dreg:$0x0];
	s2 =	stileid.u32  }
0xd0: {  	s1 =	rddreg [dreg:$0x1];
	p0 =	sne.s32 s2, $0x0  }
0xd1: {  	s3 =	rddreg [dreg:$0x2];
	[bflag:$0x3] =	sbarrier.arrive $0xFFFF;
	s2 =	simm.s32 @!p0 $0x1C02  }
0xd2: {  	[timem:s3], [sflag:s2] =	dma.local @!p0 [hbm:s0], s1  }
0xd3: {  	s0 =	simm.s32 @!p0 $0x2  }
0xd4: {  	_ =	swait.ge @!p0 [sflag:s0], s1  }
0xd5: {  	s1 =	ssub.s32 @!p0 $0x0, s1;
	[sflag:s0] =	ssyncset.done @!p0 $0x0  }
0xd6: {  	[sflag:s0] =	ssyncadd.s32 @!p0 s1  }
0xd7: {  	[bflag:$0x3] =	sbarrier.arrive $0xFFFF  }
0xd8: {  	_ =	shalt  }

</sc_bundles>
